<compile_context>
chip_gen: v7x
topology: tpu7x:2x2x1
jax: 0.10.2.dev20260603
libtpu: 0.0.44.dev20260713+nightly
codegen_flags: <defaults>
</compile_context>

<pallas_src>
import functools

import jax
import jax.numpy as jnp
from jax import lax
from jax.experimental import pallas as pl
from jax.experimental.pallas import tpu as pltpu
from jax.experimental.pallas import tpu_sc as plsc

B = 4096
T = 125
D = 64
NC = 2
NS = 16
NW = NC * NS
BPW = B // NW
KV = D // 16


def _body(smis, char, zeo2, syn2, pe2, te,
          out, zeo_o, syn_o,
          idx_v, buf_v, obuf_v, pe_v, te_v, zs_v, gsem, osem):
    cid = lax.axis_index("c")
    sid = lax.axis_index("s")
    wid = sid * NC + cid
    base = wid * BPW

    pltpu.sync_copy(smis.at[pl.ds(base, BPW)], idx_v)
    pltpu.sync_copy(pe2, pe_v)
    pltpu.sync_copy(te, te_v)

    def pe_row(pr, c):
        for k in range(KV):
            sl = pl.ds(k * 16, 16)
            pe_v[pr, sl] = pe_v[pr, sl] + te_v[2, sl]
        return c
    lax.fori_loop(0, T, pe_row, 0)

    for src, dst, trow in ((zeo2, zeo_o, 0), (syn2, syn_o, 1)):
        pltpu.sync_copy(src.at[pl.ds(base, BPW)], zs_v)

        def zrow(i, c, trow=trow):
            for k in range(KV):
                sl = pl.ds(k * 16, 16)
                zs_v[i, sl] = zs_v[i, sl] + te_v[trow, sl]
            return c
        lax.fori_loop(0, BPW, zrow, 0)
        pltpu.sync_copy(zs_v, dst.at[pl.ds(base, BPW)])

    def g_start(r, b):
        pltpu.make_async_copy(char.at[idx_v.at[r]], buf_v.at[b],
                              gsem.at[b]).start()

    def g_wait(r, b):
        pltpu.make_async_copy(char.at[idx_v.at[r]], buf_v.at[b],
                              gsem.at[b]).wait()

    def o_start(r, b):
        pltpu.make_async_copy(obuf_v.at[b], out.at[base + r],
                              osem.at[b]).start()

    def o_wait(r, b):
        pltpu.make_async_copy(obuf_v.at[b], out.at[base + r],
                              osem.at[b]).wait()

    def add_rows(b):
        def add_row(pr, cc):
            for k in range(KV):
                sl = pl.ds(k * 16, 16)
                obuf_v[b, pr, sl] = buf_v[b, pr, sl] + pe_v[pr, sl]
            return cc
        lax.fori_loop(0, T, add_row, 0)

    for b in range(2):
        g_start(b, b)
    for b in range(2):
        g_wait(b, b)
        add_rows(b)
        g_start(2 + b, b)
        o_start(b, b)

    def pair(j, c):
        for b in range(2):
            r = 2 * j + b
            o_wait(r - 2, b)
            g_wait(r, b)
            add_rows(b)

            @pl.when(j < BPW // 2 - 1)
            def _():
                g_start(r + 2, b)
            o_start(r, b)
        return c
    lax.fori_loop(1, BPW // 2, pair, 0)
    for b in range(2):
        o_wait(BPW - 2 + b, b)


@functools.partial(
    pl.kernel,
    mesh=plsc.VectorSubcoreMesh(core_axis_name="c", subcore_axis_name="s"),
    compiler_params=pltpu.CompilerParams(use_tc_tiling_on_sc=True),
    out_type=[
        jax.ShapeDtypeStruct((B, T, D), jnp.float32),
        jax.ShapeDtypeStruct((B, D), jnp.float32),
        jax.ShapeDtypeStruct((B, D), jnp.float32),
    ],
    scratch_types=[
        pltpu.VMEM((BPW, T), jnp.int32),
        pltpu.VMEM((2, T, 2 * D), jnp.float32),
        pltpu.VMEM((2, T, D), jnp.float32),
        pltpu.VMEM((T, D), jnp.float32),
        pltpu.VMEM((3, D), jnp.float32),
        pltpu.VMEM((BPW, D), jnp.float32),
        pltpu.SemaphoreType.DMA((2,)),
        pltpu.SemaphoreType.DMA((2,)),
    ],
)
def _embed(smis, char, zeo2, syn2, pe2, te, out, zeo_o, syn_o,
           idx_v, buf_v, obuf_v, pe_v, te_v, zs_v, gsem, osem):
    _body(smis, char, zeo2, syn2, pe2, te, out, zeo_o, syn_o,
          idx_v, buf_v, obuf_v, pe_v, te_v, zs_v, gsem, osem)


def kernel(zeo, syn, smis_seq, char_embed, type_embed, pe):
    b, t = smis_seq.shape
    d = char_embed.shape[1]
    zeo2 = zeo.reshape(b, d)
    syn2 = syn.reshape(b, d)
    pe2 = pe.reshape(t, d)
    char128 = jnp.pad(char_embed, ((0, 0), (0, 128 - d)))
    out, zeo_o, syn_o = _embed(smis_seq, char128, zeo2, syn2, pe2,
                               type_embed)
    return out, zeo_o.reshape(b, 1, d), syn_o.reshape(b, 1, d)

# --- scband reference (transcript-rebuilt; emitter-appended) ---
"""Pipeline reference for scband-embedding-layer-41489384079903 (READ-ONLY COPY).

The authoritative reference and input builder live on the scoring server;
editing this copy changes nothing except your own understanding.
"""

import jax, jax.numpy as jnp
import numpy as np
import math

B = 4096
T = 125
D_MODEL = 64
CHARLEN = 100000


def _make_pe():
    i = np.arange(T, dtype=np.float64)[:, None]
    j = np.arange(D_MODEL, dtype=np.float64)[None, :]
    angle = i / (10000.0 ** (j / D_MODEL))
    pe = np.where((np.arange(D_MODEL)[None, :] % 2) == 0, np.sin(angle), np.cos(angle))
    return jnp.asarray(pe[None].astype(np.float32))  # [1, T, D]


def setup_inputs(seed: int = 0) -> dict:
    key = jax.random.key(seed)
    k1, k2, k3, k4, k5 = jax.random.split(key, 5)
    zeo = jax.random.normal(k1, (B, 1, D_MODEL), dtype=jnp.float32)
    syn = jax.random.normal(k2, (B, 1, D_MODEL), dtype=jnp.float32)
    smis_seq = jax.random.randint(k3, (B, T), 0, CHARLEN, dtype=jnp.int64 if jax.config.read('jax_enable_x64') else jnp.int32).astype(jnp.int32)
    # learned parameters: embedding tables initialized N(0, 0.1) as in torch code
    char_embed = 0.1 * jax.random.normal(k4, (CHARLEN, D_MODEL), dtype=jnp.float32)
    type_embed = 0.1 * jax.random.normal(k5, (3, D_MODEL), dtype=jnp.float32)
    pe = _make_pe()
    return {"zeo": zeo, "syn": syn, "smis_seq": smis_seq, "char_embed": char_embed, "type_embed": type_embed, "pe": pe}


def reference(zeo, syn, smis_seq, char_embed, type_embed, pe):
    b, t = smis_seq.shape
    zeo_idx = jnp.zeros((b, 1), dtype=jnp.int32)
    syn_idx = jnp.ones((b, 1), dtype=jnp.int32)
    smis_idx = jnp.full((b, t), 2, dtype=jnp.int32)
    zeo_te = jnp.take(type_embed, zeo_idx, axis=0)            # [b, 1, D]
    syn_te = jnp.take(type_embed, syn_idx, axis=0)            # [b, 1, D]
    smis_seq_te = jnp.take(type_embed, smis_idx, axis=0)      # [b, t, D]
    smis_seq_ce = jnp.take(char_embed, smis_seq, axis=0)      # [b, t, D]
    smis_seq_embed = smis_seq_ce + pe + smis_seq_te
    zeo_embed = zeo + zeo_te
    syn_embed = syn + syn_te
    return (smis_seq_embed, zeo_embed, syn_embed)

if __name__ == "__main__":
    import jax
    _d = setup_inputs()
    print(jax.jit(kernel)(*tuple(_d.values())))

</pallas_src>

<mosaic_0001>
#map = affine_map<(d0, d1) -> (0, 0)>
#map1 = affine_map<(d0, d1) -> (0, 0, 0)>
module attributes {stable_mosaic.version = 14 : i64} {
  func.func @_embed(%arg0: i32, %arg1: i32, %arg2: memref<4096x125xi32, #tpu.memory_space<hbm>>, %arg3: memref<100000x128xf32, #tpu.memory_space<hbm>>, %arg4: memref<4096x64xf32, #tpu.memory_space<hbm>>, %arg5: memref<4096x64xf32, #tpu.memory_space<hbm>>, %arg6: memref<125x64xf32, #tpu.memory_space<hbm>>, %arg7: memref<3x64xf32, #tpu.memory_space<hbm>>, %arg8: memref<4096x125x64xf32, #tpu.memory_space<hbm>>, %arg9: memref<4096x64xf32, #tpu.memory_space<hbm>>, %arg10: memref<4096x64xf32, #tpu.memory_space<hbm>>, %arg11: memref<128x125xi32, #tpu.memory_space<vmem>>, %arg12: memref<2x125x128xf32, #tpu.memory_space<vmem>>, %arg13: memref<2x125x64xf32, #tpu.memory_space<vmem>>, %arg14: memref<125x64xf32, #tpu.memory_space<vmem>>, %arg15: memref<3x64xf32, #tpu.memory_space<vmem>>, %arg16: memref<128x64xf32, #tpu.memory_space<vmem>>, %arg17: memref<2x!tpu.dma_semaphore, #tpu.memory_space<semaphore_mem>>, %arg18: memref<2x!tpu.dma_semaphore, #tpu.memory_space<semaphore_mem>>) attributes {dimension_semantics = [#tpu.dimension_semantics<core_parallel>, #tpu.dimension_semantics<subcore_parallel>], iteration_bounds = array<i64: 2, 16>, scalar_prefetch = 0 : i64, scratch_operands = 8 : i64, tpu.core_type = #tpu.core_type<sc_vector_subcore>, window_params = [{transform_indices = #map}, {transform_indices = #map}, {transform_indices = #map}, {transform_indices = #map}, {transform_indices = #map}, {transform_indices = #map}, {transform_indices = #map1}, {transform_indices = #map}, {transform_indices = #map}]} {
    %mul3A = arith.constant 2 : i32
    %mul3A_0 = arith.muli %arg1, %mul3A : i32
    %add3A = arith.addi %mul3A_0, %arg0 : i32
    %mul3A_1 = arith.constant 128 : i32
    %mul3A_2 = arith.muli %add3A, %mul3A_1 : i32
    "tpu.region"() ({
      %run_scoped3A = tpu.sem_alloc : memref<!tpu.dma_semaphore, #tpu.memory_space<semaphore_mem>>
      %dma_start3A_214 = arith.constant 0 : i32
      %dma_start3A_215 = tpu.memref_slice %arg2[%mul3A_2, %dma_start3A_214] : memref<4096x125xi32, #tpu.memory_space<hbm>> -> memref<128x125xi32, #tpu.memory_space<hbm>>
      %dma_start3A_216 = arith.constant 0 : i32
      %dma_start3A_217 = tpu.memref_slice %arg2[%mul3A_2, %dma_start3A_216] : memref<4096x125xi32, #tpu.memory_space<hbm>> -> memref<128x125xi32, #tpu.memory_space<hbm>>
      tpu.enqueue_dma source(%dma_start3A_217 : memref<128x125xi32, #tpu.memory_space<hbm>>) target(%arg11 : memref<128x125xi32, #tpu.memory_space<vmem>>) target_semaphore(%run_scoped3A : memref<!tpu.dma_semaphore, #tpu.memory_space<semaphore_mem>>)
      %dma_wait3A_218 = arith.constant 0 : i32
      %dma_wait3A_219 = tpu.memref_slice %arg2[%mul3A_2, %dma_wait3A_218] : memref<4096x125xi32, #tpu.memory_space<hbm>> -> memref<128x125xi32, #tpu.memory_space<hbm>>
      %dma_wait3A_220 = arith.constant 0 : i32
      %dma_wait3A_221 = tpu.memref_slice %arg2[%mul3A_2, %dma_wait3A_220] : memref<4096x125xi32, #tpu.memory_space<hbm>> -> memref<128x125xi32, #tpu.memory_space<hbm>>
      tpu.wait_dma2 semaphore(%run_scoped3A : memref<!tpu.dma_semaphore, #tpu.memory_space<semaphore_mem>>) src(%dma_wait3A_221 : memref<128x125xi32, #tpu.memory_space<hbm>>) dst(%arg11 : memref<128x125xi32, #tpu.memory_space<vmem>>)
      tpu.yield
    }) : () -> ()
    "tpu.region"() ({
      %run_scoped3A = tpu.sem_alloc : memref<!tpu.dma_semaphore, #tpu.memory_space<semaphore_mem>>
      tpu.enqueue_dma source(%arg6 : memref<125x64xf32, #tpu.memory_space<hbm>>) target(%arg14 : memref<125x64xf32, #tpu.memory_space<vmem>>) target_semaphore(%run_scoped3A : memref<!tpu.dma_semaphore, #tpu.memory_space<semaphore_mem>>)
      tpu.wait_dma2 semaphore(%run_scoped3A : memref<!tpu.dma_semaphore, #tpu.memory_space<semaphore_mem>>) src(%arg6 : memref<125x64xf32, #tpu.memory_space<hbm>>) dst(%arg14 : memref<125x64xf32, #tpu.memory_space<vmem>>)
      tpu.yield
    }) : () -> ()
    "tpu.region"() ({
      %run_scoped3A = tpu.sem_alloc : memref<!tpu.dma_semaphore, #tpu.memory_space<semaphore_mem>>
      tpu.enqueue_dma source(%arg7 : memref<3x64xf32, #tpu.memory_space<hbm>>) target(%arg15 : memref<3x64xf32, #tpu.memory_space<vmem>>) target_semaphore(%run_scoped3A : memref<!tpu.dma_semaphore, #tpu.memory_space<semaphore_mem>>)
      tpu.wait_dma2 semaphore(%run_scoped3A : memref<!tpu.dma_semaphore, #tpu.memory_space<semaphore_mem>>) src(%arg7 : memref<3x64xf32, #tpu.memory_space<hbm>>) dst(%arg15 : memref<3x64xf32, #tpu.memory_space<vmem>>)
      tpu.yield
    }) : () -> ()
    %scan3A = arith.constant 0 : i32
    %scan3A_3 = arith.constant 0 : i32
    %scan3A_4 = arith.constant 125 : i32
    %scan3A_5 = arith.addi %scan3A_3, %scan3A_4 : i32
    %scan3A_6 = arith.constant 1 : i32
    scf.for %scan3A_214 = %scan3A_3 to %scan3A_5 step %scan3A_6  : i32 {
      %get3A = arith.index_cast %scan3A_214 : i32 to index
      %get3A_215 = arith.constant 0 : index
      %get3A_216 = tpu.vector_load %arg14[%get3A, %get3A_215] {strides = array<i32>} : memref<125x64xf32, #tpu.memory_space<vmem>>, vector<1x16xf32>,
      %get3A_217 = vector.shape_cast %get3A_216 : vector<1x16xf32> to vector<16xf32>
      %get3A_218 = arith.constant 2 : i32
      %get3A_219 = arith.index_cast %get3A_218 : i32 to index
      %get3A_220 = arith.constant 0 : index
      %get3A_221 = tpu.vector_load %arg15[%get3A_219, %get3A_220] {strides = array<i32>} : memref<3x64xf32, #tpu.memory_space<vmem>>, vector<1x16xf32>,
      %get3A_222 = vector.shape_cast %get3A_221 : vector<1x16xf32> to vector<16xf32>
      %add3A_223 = arith.addf %get3A_217, %get3A_222 : vector<16xf32>
      %swap3A = arith.index_cast %scan3A_214 : i32 to index
      %swap3A_224 = arith.constant 0 : index
      %swap3A_225 = tpu.vector_load %arg14[%swap3A, %swap3A_224] {strides = array<i32>} : memref<125x64xf32, #tpu.memory_space<vmem>>, vector<1x16xf32>,
      %swap3A_226 = vector.shape_cast %swap3A_225 : vector<1x16xf32> to vector<16xf32>
      %swap3A_227 = vector.shape_cast %add3A_223 : vector<16xf32> to vector<1x16xf32>
      tpu.vector_store %arg14[%swap3A, %swap3A_224], %swap3A_227 {strides = array<i32>} : memref<125x64xf32, #tpu.memory_space<vmem>>, vector<1x16xf32>,
      %get3A_228 = arith.index_cast %scan3A_214 : i32 to index
      %get3A_229 = arith.constant 16 : index
      %get3A_230 = tpu.vector_load %arg14[%get3A_228, %get3A_229] {strides = array<i32>} : memref<125x64xf32, #tpu.memory_space<vmem>>, vector<1x16xf32>,
      %get3A_231 = vector.shape_cast %get3A_230 : vector<1x16xf32> to vector<16xf32>
      %get3A_232 = arith.constant 2 : i32
      %get3A_233 = arith.index_cast %get3A_232 : i32 to index
      %get3A_234 = arith.constant 16 : index
      %get3A_235 = tpu.vector_load %arg15[%get3A_233, %get3A_234] {strides = array<i32>} : memref<3x64xf32, #tpu.memory_space<vmem>>, vector<1x16xf32>,
      %get3A_236 = vector.shape_cast %get3A_235 : vector<1x16xf32> to vector<16xf32>
      %add3A_237 = arith.addf %get3A_231, %get3A_236 : vector<16xf32>
      %swap3A_238 = arith.index_cast %scan3A_214 : i32 to index
      %swap3A_239 = arith.constant 16 : index
      %swap3A_240 = tpu.vector_load %arg14[%swap3A_238, %swap3A_239] {strides = array<i32>} : memref<125x64xf32, #tpu.memory_space<vmem>>, vector<1x16xf32>,
      %swap3A_241 = vector.shape_cast %swap3A_240 : vector<1x16xf32> to vector<16xf32>
      %swap3A_242 = vector.shape_cast %add3A_237 : vector<16xf32> to vector<1x16xf32>
      tpu.vector_store %arg14[%swap3A_238, %swap3A_239], %swap3A_242 {strides = array<i32>} : memref<125x64xf32, #tpu.memory_space<vmem>>, vector<1x16xf32>,
      %get3A_243 = arith.index_cast %scan3A_214 : i32 to index
      %get3A_244 = arith.constant 32 : index
      %get3A_245 = tpu.vector_load %arg14[%get3A_243, %get3A_244] {strides = array<i32>} : memref<125x64xf32, #tpu.memory_space<vmem>>, vector<1x16xf32>,
      %get3A_246 = vector.shape_cast %get3A_245 : vector<1x16xf32> to vector<16xf32>
      %get3A_247 = arith.constant 2 : i32
      %get3A_248 = arith.index_cast %get3A_247 : i32 to index
      %get3A_249 = arith.constant 32 : index
      %get3A_250 = tpu.vector_load %arg15[%get3A_248, %get3A_249] {strides = array<i32>} : memref<3x64xf32, #tpu.memory_space<vmem>>, vector<1x16xf32>,
      %get3A_251 = vector.shape_cast %get3A_250 : vector<1x16xf32> to vector<16xf32>
      %add3A_252 = arith.addf %get3A_246, %get3A_251 : vector<16xf32>
      %swap3A_253 = arith.index_cast %scan3A_214 : i32 to index
      %swap3A_254 = arith.constant 32 : index
      %swap3A_255 = tpu.vector_load %arg14[%swap3A_253, %swap3A_254] {strides = array<i32>} : memref<125x64xf32, #tpu.memory_space<vmem>>, vector<1x16xf32>,
      %swap3A_256 = vector.shape_cast %swap3A_255 : vector<1x16xf32> to vector<16xf32>
      %swap3A_257 = vector.shape_cast %add3A_252 : vector<16xf32> to vector<1x16xf32>
      tpu.vector_store %arg14[%swap3A_253, %swap3A_254], %swap3A_257 {strides = array<i32>} : memref<125x64xf32, #tpu.memory_space<vmem>>, vector<1x16xf32>,
      %get3A_258 = arith.index_cast %scan3A_214 : i32 to index
      %get3A_259 = arith.constant 48 : index
      %get3A_260 = tpu.vector_load %arg14[%get3A_258, %get3A_259] {strides = array<i32>} : memref<125x64xf32, #tpu.memory_space<vmem>>, vector<1x16xf32>,
      %get3A_261 = vector.shape_cast %get3A_260 : vector<1x16xf32> to vector<16xf32>
      %get3A_262 = arith.constant 2 : i32
      %get3A_263 = arith.index_cast %get3A_262 : i32 to index
      %get3A_264 = arith.constant 48 : index
      %get3A_265 = tpu.vector_load %arg15[%get3A_263, %get3A_264] {strides = array<i32>} : memref<3x64xf32, #tpu.memory_space<vmem>>, vector<1x16xf32>,
      %get3A_266 = vector.shape_cast %get3A_265 : vector<1x16xf32> to vector<16xf32>
      %add3A_267 = arith.addf %get3A_261, %get3A_266 : vector<16xf32>
      %swap3A_268 = arith.index_cast %scan3A_214 : i32 to index
      %swap3A_269 = arith.constant 48 : index
      %swap3A_270 = tpu.vector_load %arg14[%swap3A_268, %swap3A_269] {strides = array<i32>} : memref<125x64xf32, #tpu.memory_space<vmem>>, vector<1x16xf32>,
      %swap3A_271 = vector.shape_cast %swap3A_270 : vector<1x16xf32> to vector<16xf32>
      %swap3A_272 = vector.shape_cast %add3A_267 : vector<16xf32> to vector<1x16xf32>
      tpu.vector_store %arg14[%swap3A_268, %swap3A_269], %swap3A_272 {strides = array<i32>} : memref<125x64xf32, #tpu.memory_space<vmem>>, vector<1x16xf32>,
    }
    %scan3A_7 = arith.constant 125 : i32
    "tpu.region"() ({
      %run_scoped3A = tpu.sem_alloc : memref<!tpu.dma_semaphore, #tpu.memory_space<semaphore_mem>>
      %dma_start3A_214 = arith.constant 0 : i32
      %dma_start3A_215 = tpu.memref_slice %arg4[%mul3A_2, %dma_start3A_214] : memref<4096x64xf32, #tpu.memory_space<hbm>> -> memref<128x64xf32, #tpu.memory_space<hbm>>
      %dma_start3A_216 = arith.constant 0 : i32
      %dma_start3A_217 = tpu.memref_slice %arg4[%mul3A_2, %dma_start3A_216] : memref<4096x64xf32, #tpu.memory_space<hbm>> -> memref<128x64xf32, #tpu.memory_space<hbm>>
      tpu.enqueue_dma source(%dma_start3A_217 : memref<128x64xf32, #tpu.memory_space<hbm>>) target(%arg16 : memref<128x64xf32, #tpu.memory_space<vmem>>) target_semaphore(%run_scoped3A : memref<!tpu.dma_semaphore, #tpu.memory_space<semaphore_mem>>)
      %dma_wait3A_218 = arith.constant 0 : i32
      %dma_wait3A_219 = tpu.memref_slice %arg4[%mul3A_2, %dma_wait3A_218] : memref<4096x64xf32, #tpu.memory_space<hbm>> -> memref<128x64xf32, #tpu.memory_space<hbm>>
      %dma_wait3A_220 = arith.constant 0 : i32
      %dma_wait3A_221 = tpu.memref_slice %arg4[%mul3A_2, %dma_wait3A_220] : memref<4096x64xf32, #tpu.memory_space<hbm>> -> memref<128x64xf32, #tpu.memory_space<hbm>>
      tpu.wait_dma2 semaphore(%run_scoped3A : memref<!tpu.dma_semaphore, #tpu.memory_space<semaphore_mem>>) src(%dma_wait3A_221 : memref<128x64xf32, #tpu.memory_space<hbm>>) dst(%arg16 : memref<128x64xf32, #tpu.memory_space<vmem>>)
      tpu.yield
    }) : () -> ()
    %scan3A_8 = arith.constant 0 : i32
    %scan3A_9 = arith.constant 0 : i32
    %scan3A_10 = arith.constant 128 : i32
    %scan3A_11 = arith.addi %scan3A_9, %scan3A_10 : i32
    %scan3A_12 = arith.constant 1 : i32
    scf.for %scan3A_214 = %scan3A_9 to %scan3A_11 step %scan3A_12  : i32 {
      %get3A = arith.index_cast %scan3A_214 : i32 to index
      %get3A_215 = arith.constant 0 : index
      %get3A_216 = tpu.vector_load %arg16[%get3A, %get3A_215] {strides = array<i32>} : memref<128x64xf32, #tpu.memory_space<vmem>>, vector<1x16xf32>,
      %get3A_217 = vector.shape_cast %get3A_216 : vector<1x16xf32> to vector<16xf32>
      %get3A_218 = arith.constant 0 : i32
      %get3A_219 = arith.index_cast %get3A_218 : i32 to index
      %get3A_220 = arith.constant 0 : index
      %get3A_221 = tpu.vector_load %arg15[%get3A_219, %get3A_220] {strides = array<i32>} : memref<3x64xf32, #tpu.memory_space<vmem>>, vector<1x16xf32>,
      %get3A_222 = vector.shape_cast %get3A_221 : vector<1x16xf32> to vector<16xf32>
      %add3A_223 = arith.addf %get3A_217, %get3A_222 : vector<16xf32>
      %swap3A = arith.index_cast %scan3A_214 : i32 to index
      %swap3A_224 = arith.constant 0 : index
      %swap3A_225 = tpu.vector_load %arg16[%swap3A, %swap3A_224] {strides = array<i32>} : memref<128x64xf32, #tpu.memory_space<vmem>>, vector<1x16xf32>,
      %swap3A_226 = vector.shape_cast %swap3A_225 : vector<1x16xf32> to vector<16xf32>
      %swap3A_227 = vector.shape_cast %add3A_223 : vector<16xf32> to vector<1x16xf32>
      tpu.vector_store %arg16[%swap3A, %swap3A_224], %swap3A_227 {strides = array<i32>} : memref<128x64xf32, #tpu.memory_space<vmem>>, vector<1x16xf32>,
      %get3A_228 = arith.index_cast %scan3A_214 : i32 to index
      %get3A_229 = arith.constant 16 : index
      %get3A_230 = tpu.vector_load %arg16[%get3A_228, %get3A_229] {strides = array<i32>} : memref<128x64xf32, #tpu.memory_space<vmem>>, vector<1x16xf32>,
      %get3A_231 = vector.shape_cast %get3A_230 : vector<1x16xf32> to vector<16xf32>
      %get3A_232 = arith.constant 0 : i32
      %get3A_233 = arith.index_cast %get3A_232 : i32 to index
      %get3A_234 = arith.constant 16 : index
      %get3A_235 = tpu.vector_load %arg15[%get3A_233, %get3A_234] {strides = array<i32>} : memref<3x64xf32, #tpu.memory_space<vmem>>, vector<1x16xf32>,
      %get3A_236 = vector.shape_cast %get3A_235 : vector<1x16xf32> to vector<16xf32>
      %add3A_237 = arith.addf %get3A_231, %get3A_236 : vector<16xf32>
      %swap3A_238 = arith.index_cast %scan3A_214 : i32 to index
      %swap3A_239 = arith.constant 16 : index
      %swap3A_240 = tpu.vector_load %arg16[%swap3A_238, %swap3A_239] {strides = array<i32>} : memref<128x64xf32, #tpu.memory_space<vmem>>, vector<1x16xf32>,
      %swap3A_241 = vector.shape_cast %swap3A_240 : vector<1x16xf32> to vector<16xf32>
      %swap3A_242 = vector.shape_cast %add3A_237 : vector<16xf32> to vector<1x16xf32>
      tpu.vector_store %arg16[%swap3A_238, %swap3A_239], %swap3A_242 {strides = array<i32>} : memref<128x64xf32, #tpu.memory_space<vmem>>, vector<1x16xf32>,
      %get3A_243 = arith.index_cast %scan3A_214 : i32 to index
      %get3A_244 = arith.constant 32 : index
      %get3A_245 = tpu.vector_load %arg16[%get3A_243, %get3A_244] {strides = array<i32>} : memref<128x64xf32, #tpu.memory_space<vmem>>, vector<1x16xf32>,
      %get3A_246 = vector.shape_cast %get3A_245 : vector<1x16xf32> to vector<16xf32>
      %get3A_247 = arith.constant 0 : i32
      %get3A_248 = arith.index_cast %get3A_247 : i32 to index
      %get3A_249 = arith.constant 32 : index
      %get3A_250 = tpu.vector_load %arg15[%get3A_248, %get3A_249] {strides = array<i32>} : memref<3x64xf32, #tpu.memory_space<vmem>>, vector<1x16xf32>,
      %get3A_251 = vector.shape_cast %get3A_250 : vector<1x16xf32> to vector<16xf32>
      %add3A_252 = arith.addf %get3A_246, %get3A_251 : vector<16xf32>
      %swap3A_253 = arith.index_cast %scan3A_214 : i32 to index
      %swap3A_254 = arith.constant 32 : index
      %swap3A_255 = tpu.vector_load %arg16[%swap3A_253, %swap3A_254] {strides = array<i32>} : memref<128x64xf32, #tpu.memory_space<vmem>>, vector<1x16xf32>,
      %swap3A_256 = vector.shape_cast %swap3A_255 : vector<1x16xf32> to vector<16xf32>
      %swap3A_257 = vector.shape_cast %add3A_252 : vector<16xf32> to vector<1x16xf32>
      tpu.vector_store %arg16[%swap3A_253, %swap3A_254], %swap3A_257 {strides = array<i32>} : memref<128x64xf32, #tpu.memory_space<vmem>>, vector<1x16xf32>,
      %get3A_258 = arith.index_cast %scan3A_214 : i32 to index
      %get3A_259 = arith.constant 48 : index
      %get3A_260 = tpu.vector_load %arg16[%get3A_258, %get3A_259] {strides = array<i32>} : memref<128x64xf32, #tpu.memory_space<vmem>>, vector<1x16xf32>,
      %get3A_261 = vector.shape_cast %get3A_260 : vector<1x16xf32> to vector<16xf32>
      %get3A_262 = arith.constant 0 : i32
      %get3A_263 = arith.index_cast %get3A_262 : i32 to index
      %get3A_264 = arith.constant 48 : index
      %get3A_265 = tpu.vector_load %arg15[%get3A_263, %get3A_264] {strides = array<i32>} : memref<3x64xf32, #tpu.memory_space<vmem>>, vector<1x16xf32>,
      %get3A_266 = vector.shape_cast %get3A_265 : vector<1x16xf32> to vector<16xf32>
      %add3A_267 = arith.addf %get3A_261, %get3A_266 : vector<16xf32>
      %swap3A_268 = arith.index_cast %scan3A_214 : i32 to index
      %swap3A_269 = arith.constant 48 : index
      %swap3A_270 = tpu.vector_load %arg16[%swap3A_268, %swap3A_269] {strides = array<i32>} : memref<128x64xf32, #tpu.memory_space<vmem>>, vector<1x16xf32>,
      %swap3A_271 = vector.shape_cast %swap3A_270 : vector<1x16xf32> to vector<16xf32>
      %swap3A_272 = vector.shape_cast %add3A_267 : vector<16xf32> to vector<1x16xf32>
      tpu.vector_store %arg16[%swap3A_268, %swap3A_269], %swap3A_272 {strides = array<i32>} : memref<128x64xf32, #tpu.memory_space<vmem>>, vector<1x16xf32>,
    }
    %scan3A_13 = arith.constant 128 : i32
    "tpu.region"() ({
      %run_scoped3A = tpu.sem_alloc : memref<!tpu.dma_semaphore, #tpu.memory_space<semaphore_mem>>
      %dma_start3A_214 = arith.constant 0 : i32
      %dma_start3A_215 = tpu.memref_slice %arg9[%mul3A_2, %dma_start3A_214] : memref<4096x64xf32, #tpu.memory_space<hbm>> -> memref<128x64xf32, #tpu.memory_space<hbm>>
      %dma_start3A_216 = arith.constant 0 : i32
      %dma_start3A_217 = tpu.memref_slice %arg9[%mul3A_2, %dma_start3A_216] : memref<4096x64xf32, #tpu.memory_space<hbm>> -> memref<128x64xf32, #tpu.memory_space<hbm>>
      tpu.enqueue_dma source(%arg16 : memref<128x64xf32, #tpu.memory_space<vmem>>) target(%dma_start3A_217 : memref<128x64xf32, #tpu.memory_space<hbm>>) target_semaphore(%run_scoped3A : memref<!tpu.dma_semaphore, #tpu.memory_space<semaphore_mem>>)
      %dma_wait3A_218 = arith.constant 0 : i32
      %dma_wait3A_219 = tpu.memref_slice %arg9[%mul3A_2, %dma_wait3A_218] : memref<4096x64xf32, #tpu.memory_space<hbm>> -> memref<128x64xf32, #tpu.memory_space<hbm>>
      %dma_wait3A_220 = arith.constant 0 : i32
      %dma_wait3A_221 = tpu.memref_slice %arg9[%mul3A_2, %dma_wait3A_220] : memref<4096x64xf32, #tpu.memory_space<hbm>> -> memref<128x64xf32, #tpu.memory_space<hbm>>
      tpu.wait_dma2 semaphore(%run_scoped3A : memref<!tpu.dma_semaphore, #tpu.memory_space<semaphore_mem>>) src(%arg16 : memref<128x64xf32, #tpu.memory_space<vmem>>) dst(%dma_wait3A_221 : memref<128x64xf32, #tpu.memory_space<hbm>>)
      tpu.yield
    }) : () -> ()
    "tpu.region"() ({
      %run_scoped3A = tpu.sem_alloc : memref<!tpu.dma_semaphore, #tpu.memory_space<semaphore_mem>>
      %dma_start3A_214 = arith.constant 0 : i32
      %dma_start3A_215 = tpu.memref_slice %arg5[%mul3A_2, %dma_start3A_214] : memref<4096x64xf32, #tpu.memory_space<hbm>> -> memref<128x64xf32, #tpu.memory_space<hbm>>
      %dma_start3A_216 = arith.constant 0 : i32
      %dma_start3A_217 = tpu.memref_slice %arg5[%mul3A_2, %dma_start3A_216] : memref<4096x64xf32, #tpu.memory_space<hbm>> -> memref<128x64xf32, #tpu.memory_space<hbm>>
      tpu.enqueue_dma source(%dma_start3A_217 : memref<128x64xf32, #tpu.memory_space<hbm>>) target(%arg16 : memref<128x64xf32, #tpu.memory_space<vmem>>) target_semaphore(%run_scoped3A : memref<!tpu.dma_semaphore, #tpu.memory_space<semaphore_mem>>)
      %dma_wait3A_218 = arith.constant 0 : i32
      %dma_wait3A_219 = tpu.memref_slice %arg5[%mul3A_2, %dma_wait3A_218] : memref<4096x64xf32, #tpu.memory_space<hbm>> -> memref<128x64xf32, #tpu.memory_space<hbm>>
      %dma_wait3A_220 = arith.constant 0 : i32
      %dma_wait3A_221 = tpu.memref_slice %arg5[%mul3A_2, %dma_wait3A_220] : memref<4096x64xf32, #tpu.memory_space<hbm>> -> memref<128x64xf32, #tpu.memory_space<hbm>>
      tpu.wait_dma2 semaphore(%run_scoped3A : memref<!tpu.dma_semaphore, #tpu.memory_space<semaphore_mem>>) src(%dma_wait3A_221 : memref<128x64xf32, #tpu.memory_space<hbm>>) dst(%arg16 : memref<128x64xf32, #tpu.memory_space<vmem>>)
      tpu.yield
    }) : () -> ()
    %scan3A_14 = arith.constant 0 : i32
    %scan3A_15 = arith.constant 0 : i32
    %scan3A_16 = arith.constant 128 : i32
    %scan3A_17 = arith.addi %scan3A_15, %scan3A_16 : i32
    %scan3A_18 = arith.constant 1 : i32
    scf.for %scan3A_214 = %scan3A_15 to %scan3A_17 step %scan3A_18  : i32 {
      %get3A = arith.index_cast %scan3A_214 : i32 to index
      %get3A_215 = arith.constant 0 : index
      %get3A_216 = tpu.vector_load %arg16[%get3A, %get3A_215] {strides = array<i32>} : memref<128x64xf32, #tpu.memory_space<vmem>>, vector<1x16xf32>,
      %get3A_217 = vector.shape_cast %get3A_216 : vector<1x16xf32> to vector<16xf32>
      %get3A_218 = arith.constant 1 : i32
      %get3A_219 = arith.index_cast %get3A_218 : i32 to index
      %get3A_220 = arith.constant 0 : index
      %get3A_221 = tpu.vector_load %arg15[%get3A_219, %get3A_220] {strides = array<i32>} : memref<3x64xf32, #tpu.memory_space<vmem>>, vector<1x16xf32>,
      %get3A_222 = vector.shape_cast %get3A_221 : vector<1x16xf32> to vector<16xf32>
      %add3A_223 = arith.addf %get3A_217, %get3A_222 : vector<16xf32>
      %swap3A = arith.index_cast %scan3A_214 : i32 to index
      %swap3A_224 = arith.constant 0 : index
      %swap3A_225 = tpu.vector_load %arg16[%swap3A, %swap3A_224] {strides = array<i32>} : memref<128x64xf32, #tpu.memory_space<vmem>>, vector<1x16xf32>,
      %swap3A_226 = vector.shape_cast %swap3A_225 : vector<1x16xf32> to vector<16xf32>
      %swap3A_227 = vector.shape_cast %add3A_223 : vector<16xf32> to vector<1x16xf32>
      tpu.vector_store %arg16[%swap3A, %swap3A_224], %swap3A_227 {strides = array<i32>} : memref<128x64xf32, #tpu.memory_space<vmem>>, vector<1x16xf32>,
      %get3A_228 = arith.index_cast %scan3A_214 : i32 to index
      %get3A_229 = arith.constant 16 : index
      %get3A_230 = tpu.vector_load %arg16[%get3A_228, %get3A_229] {strides = array<i32>} : memref<128x64xf32, #tpu.memory_space<vmem>>, vector<1x16xf32>,
      %get3A_231 = vector.shape_cast %get3A_230 : vector<1x16xf32> to vector<16xf32>
      %get3A_232 = arith.constant 1 : i32
      %get3A_233 = arith.index_cast %get3A_232 : i32 to index
      %get3A_234 = arith.constant 16 : index
      %get3A_235 = tpu.vector_load %arg15[%get3A_233, %get3A_234] {strides = array<i32>} : memref<3x64xf32, #tpu.memory_space<vmem>>, vector<1x16xf32>,
      %get3A_236 = vector.shape_cast %get3A_235 : vector<1x16xf32> to vector<16xf32>
      %add3A_237 = arith.addf %get3A_231, %get3A_236 : vector<16xf32>
      %swap3A_238 = arith.index_cast %scan3A_214 : i32 to index
      %swap3A_239 = arith.constant 16 : index
      %swap3A_240 = tpu.vector_load %arg16[%swap3A_238, %swap3A_239] {strides = array<i32>} : memref<128x64xf32, #tpu.memory_space<vmem>>, vector<1x16xf32>,
      %swap3A_241 = vector.shape_cast %swap3A_240 : vector<1x16xf32> to vector<16xf32>
      %swap3A_242 = vector.shape_cast %add3A_237 : vector<16xf32> to vector<1x16xf32>
      tpu.vector_store %arg16[%swap3A_238, %swap3A_239], %swap3A_242 {strides = array<i32>} : memref<128x64xf32, #tpu.memory_space<vmem>>, vector<1x16xf32>,
      %get3A_243 = arith.index_cast %scan3A_214 : i32 to index
      %get3A_244 = arith.constant 32 : index
      %get3A_245 = tpu.vector_load %arg16[%get3A_243, %get3A_244] {strides = array<i32>} : memref<128x64xf32, #tpu.memory_space<vmem>>, vector<1x16xf32>,
      %get3A_246 = vector.shape_cast %get3A_245 : vector<1x16xf32> to vector<16xf32>
      %get3A_247 = arith.constant 1 : i32
      %get3A_248 = arith.index_cast %get3A_247 : i32 to index
      %get3A_249 = arith.constant 32 : index
      %get3A_250 = tpu.vector_load %arg15[%get3A_248, %get3A_249] {strides = array<i32>} : memref<3x64xf32, #tpu.memory_space<vmem>>, vector<1x16xf32>,
      %get3A_251 = vector.shape_cast %get3A_250 : vector<1x16xf32> to vector<16xf32>
      %add3A_252 = arith.addf %get3A_246, %get3A_251 : vector<16xf32>
      %swap3A_253 = arith.index_cast %scan3A_214 : i32 to index
      %swap3A_254 = arith.constant 32 : index
      %swap3A_255 = tpu.vector_load %arg16[%swap3A_253, %swap3A_254] {strides = array<i32>} : memref<128x64xf32, #tpu.memory_space<vmem>>, vector<1x16xf32>,
      %swap3A_256 = vector.shape_cast %swap3A_255 : vector<1x16xf32> to vector<16xf32>
      %swap3A_257 = vector.shape_cast %add3A_252 : vector<16xf32> to vector<1x16xf32>
      tpu.vector_store %arg16[%swap3A_253, %swap3A_254], %swap3A_257 {strides = array<i32>} : memref<128x64xf32, #tpu.memory_space<vmem>>, vector<1x16xf32>,
      %get3A_258 = arith.index_cast %scan3A_214 : i32 to index
      %get3A_259 = arith.constant 48 : index
      %get3A_260 = tpu.vector_load %arg16[%get3A_258, %get3A_259] {strides = array<i32>} : memref<128x64xf32, #tpu.memory_space<vmem>>, vector<1x16xf32>,
      %get3A_261 = vector.shape_cast %get3A_260 : vector<1x16xf32> to vector<16xf32>
      %get3A_262 = arith.constant 1 : i32
      %get3A_263 = arith.index_cast %get3A_262 : i32 to index
      %get3A_264 = arith.constant 48 : index
      %get3A_265 = tpu.vector_load %arg15[%get3A_263, %get3A_264] {strides = array<i32>} : memref<3x64xf32, #tpu.memory_space<vmem>>, vector<1x16xf32>,
      %get3A_266 = vector.shape_cast %get3A_265 : vector<1x16xf32> to vector<16xf32>
      %add3A_267 = arith.addf %get3A_261, %get3A_266 : vector<16xf32>
      %swap3A_268 = arith.index_cast %scan3A_214 : i32 to index
      %swap3A_269 = arith.constant 48 : index
      %swap3A_270 = tpu.vector_load %arg16[%swap3A_268, %swap3A_269] {strides = array<i32>} : memref<128x64xf32, #tpu.memory_space<vmem>>, vector<1x16xf32>,
      %swap3A_271 = vector.shape_cast %swap3A_270 : vector<1x16xf32> to vector<16xf32>
      %swap3A_272 = vector.shape_cast %add3A_267 : vector<16xf32> to vector<1x16xf32>
      tpu.vector_store %arg16[%swap3A_268, %swap3A_269], %swap3A_272 {strides = array<i32>} : memref<128x64xf32, #tpu.memory_space<vmem>>, vector<1x16xf32>,
    }
    %scan3A_19 = arith.constant 128 : i32
    "tpu.region"() ({
      %run_scoped3A = tpu.sem_alloc : memref<!tpu.dma_semaphore, #tpu.memory_space<semaphore_mem>>
      %dma_start3A_214 = arith.constant 0 : i32
      %dma_start3A_215 = tpu.memref_slice %arg10[%mul3A_2, %dma_start3A_214] : memref<4096x64xf32, #tpu.memory_space<hbm>> -> memref<128x64xf32, #tpu.memory_space<hbm>>
      %dma_start3A_216 = arith.constant 0 : i32
      %dma_start3A_217 = tpu.memref_slice %arg10[%mul3A_2, %dma_start3A_216] : memref<4096x64xf32, #tpu.memory_space<hbm>> -> memref<128x64xf32, #tpu.memory_space<hbm>>
      tpu.enqueue_dma source(%arg16 : memref<128x64xf32, #tpu.memory_space<vmem>>) target(%dma_start3A_217 : memref<128x64xf32, #tpu.memory_space<hbm>>) target_semaphore(%run_scoped3A : memref<!tpu.dma_semaphore, #tpu.memory_space<semaphore_mem>>)
      %dma_wait3A_218 = arith.constant 0 : i32
      %dma_wait3A_219 = tpu.memref_slice %arg10[%mul3A_2, %dma_wait3A_218] : memref<4096x64xf32, #tpu.memory_space<hbm>> -> memref<128x64xf32, #tpu.memory_space<hbm>>
      %dma_wait3A_220 = arith.constant 0 : i32
      %dma_wait3A_221 = tpu.memref_slice %arg10[%mul3A_2, %dma_wait3A_220] : memref<4096x64xf32, #tpu.memory_space<hbm>> -> memref<128x64xf32, #tpu.memory_space<hbm>>
      tpu.wait_dma2 semaphore(%run_scoped3A : memref<!tpu.dma_semaphore, #tpu.memory_space<semaphore_mem>>) src(%arg16 : memref<128x64xf32, #tpu.memory_space<vmem>>) dst(%dma_wait3A_221 : memref<128x64xf32, #tpu.memory_space<hbm>>)
      tpu.yield
    }) : () -> ()
    %dma_start3A = arith.constant 0 : i32
    %dma_start3A_20 = arith.constant 0 : i32
    %dma_start3A_21 = arith.constant 0 : i32
    %dma_start3A_22 = arith.constant 0 : i32
    %dma_start3A_23 = arith.constant 0 : i32
    %dma_start3A_24 = tpu.memref_slice %arg12[%dma_start3A_20, %dma_start3A_22, %dma_start3A_23] : memref<2x125x128xf32, #tpu.memory_space<vmem>> -> memref<1x125x128xf32, #tpu.memory_space<vmem>>
    %dma_start3A_25 = tpu.memref_squeeze %dma_start3A_24 : memref<1x125x128xf32, #tpu.memory_space<vmem>> -> memref<125x128xf32, #tpu.memory_space<vmem>>
    %dma_start3A_26 = arith.constant 0 : i32
    %dma_start3A_27 = tpu.memref_slice %arg11[%dma_start3A, %dma_start3A_26] : memref<128x125xi32, #tpu.memory_space<vmem>> -> memref<1x125xi32, #tpu.memory_space<vmem>>
    %dma_start3A_28 = tpu.memref_squeeze %dma_start3A_27 : memref<1x125xi32, #tpu.memory_space<vmem>> -> memref<125xi32, #tpu.memory_space<vmem>>
    %dma_start3A_29 = arith.constant 0 : i32
    %dma_start3A_30 = arith.constant 0 : i32
    %dma_start3A_31 = tpu.memref_slice %arg3[%dma_start3A_29, %dma_start3A_30] : memref<100000x128xf32, #tpu.memory_space<hbm>> -> memref<100000x128xf32, #tpu.memory_space<hbm>>
    %dma_start3A_32 = tpu.memref_slice %arg17[%dma_start3A_21] : memref<2x!tpu.dma_semaphore, #tpu.memory_space<semaphore_mem>> -> memref<1x!tpu.dma_semaphore, #tpu.memory_space<semaphore_mem>>
    %dma_start3A_33 = tpu.memref_squeeze %dma_start3A_32 : memref<1x!tpu.dma_semaphore, #tpu.memory_space<semaphore_mem>> -> memref<!tpu.dma_semaphore, #tpu.memory_space<semaphore_mem>>
    tpu.enqueue_indirect_dma source(%dma_start3A_31 : memref<100000x128xf32, #tpu.memory_space<hbm>>) target(%dma_start3A_25 : memref<125x128xf32, #tpu.memory_space<vmem>>) offsets(%dma_start3A_28 : memref<125xi32, #tpu.memory_space<vmem>>) semaphore(%dma_start3A_33 : memref<!tpu.dma_semaphore, #tpu.memory_space<semaphore_mem>>)
    %dma_start3A_34 = arith.constant 1 : i32
    %dma_start3A_35 = arith.constant 1 : i32
    %dma_start3A_36 = arith.constant 1 : i32
    %dma_start3A_37 = arith.constant 0 : i32
    %dma_start3A_38 = arith.constant 0 : i32
    %dma_start3A_39 = tpu.memref_slice %arg12[%dma_start3A_35, %dma_start3A_37, %dma_start3A_38] : memref<2x125x128xf32, #tpu.memory_space<vmem>> -> memref<1x125x128xf32, #tpu.memory_space<vmem>>
    %dma_start3A_40 = tpu.memref_squeeze %dma_start3A_39 : memref<1x125x128xf32, #tpu.memory_space<vmem>> -> memref<125x128xf32, #tpu.memory_space<vmem>>
    %dma_start3A_41 = arith.constant 0 : i32
    %dma_start3A_42 = tpu.memref_slice %arg11[%dma_start3A_34, %dma_start3A_41] : memref<128x125xi32, #tpu.memory_space<vmem>> -> memref<1x125xi32, #tpu.memory_space<vmem>>
    %dma_start3A_43 = tpu.memref_squeeze %dma_start3A_42 : memref<1x125xi32, #tpu.memory_space<vmem>> -> memref<125xi32, #tpu.memory_space<vmem>>
    %dma_start3A_44 = arith.constant 0 : i32
    %dma_start3A_45 = arith.constant 0 : i32
    %dma_start3A_46 = tpu.memref_slice %arg3[%dma_start3A_44, %dma_start3A_45] : memref<100000x128xf32, #tpu.memory_space<hbm>> -> memref<100000x128xf32, #tpu.memory_space<hbm>>
    %dma_start3A_47 = tpu.memref_slice %arg17[%dma_start3A_36] : memref<2x!tpu.dma_semaphore, #tpu.memory_space<semaphore_mem>> -> memref<1x!tpu.dma_semaphore, #tpu.memory_space<semaphore_mem>>
    %dma_start3A_48 = tpu.memref_squeeze %dma_start3A_47 : memref<1x!tpu.dma_semaphore, #tpu.memory_space<semaphore_mem>> -> memref<!tpu.dma_semaphore, #tpu.memory_space<semaphore_mem>>
    tpu.enqueue_indirect_dma source(%dma_start3A_46 : memref<100000x128xf32, #tpu.memory_space<hbm>>) target(%dma_start3A_40 : memref<125x128xf32, #tpu.memory_space<vmem>>) offsets(%dma_start3A_43 : memref<125xi32, #tpu.memory_space<vmem>>) semaphore(%dma_start3A_48 : memref<!tpu.dma_semaphore, #tpu.memory_space<semaphore_mem>>)
    %dma_wait3A = arith.constant 0 : i32
    %dma_wait3A_49 = arith.constant 0 : i32
    %dma_wait3A_50 = arith.constant 0 : i32
    %dma_wait3A_51 = arith.constant 0 : i32
    %dma_wait3A_52 = arith.constant 0 : i32
    %dma_wait3A_53 = tpu.memref_slice %arg12[%dma_wait3A_49, %dma_wait3A_51, %dma_wait3A_52] : memref<2x125x128xf32, #tpu.memory_space<vmem>> -> memref<1x125x128xf32, #tpu.memory_space<vmem>>
    %dma_wait3A_54 = tpu.memref_squeeze %dma_wait3A_53 : memref<1x125x128xf32, #tpu.memory_space<vmem>> -> memref<125x128xf32, #tpu.memory_space<vmem>>
    %dma_wait3A_55 = arith.constant 0 : i32
    %dma_wait3A_56 = tpu.memref_slice %arg11[%dma_wait3A, %dma_wait3A_55] : memref<128x125xi32, #tpu.memory_space<vmem>> -> memref<1x125xi32, #tpu.memory_space<vmem>>
    %dma_wait3A_57 = tpu.memref_squeeze %dma_wait3A_56 : memref<1x125xi32, #tpu.memory_space<vmem>> -> memref<125xi32, #tpu.memory_space<vmem>>
    %dma_wait3A_58 = arith.constant 0 : i32
    %dma_wait3A_59 = arith.constant 0 : i32
    %dma_wait3A_60 = tpu.memref_slice %arg3[%dma_wait3A_58, %dma_wait3A_59] : memref<100000x128xf32, #tpu.memory_space<hbm>> -> memref<100000x128xf32, #tpu.memory_space<hbm>>
    %dma_wait3A_61 = tpu.memref_slice %arg17[%dma_wait3A_50] : memref<2x!tpu.dma_semaphore, #tpu.memory_space<semaphore_mem>> -> memref<1x!tpu.dma_semaphore, #tpu.memory_space<semaphore_mem>>
    %dma_wait3A_62 = tpu.memref_squeeze %dma_wait3A_61 : memref<1x!tpu.dma_semaphore, #tpu.memory_space<semaphore_mem>> -> memref<!tpu.dma_semaphore, #tpu.memory_space<semaphore_mem>>
    tpu.wait_indirect_dma semaphore(%dma_wait3A_62 : memref<!tpu.dma_semaphore, #tpu.memory_space<semaphore_mem>>) src(%dma_wait3A_60 : memref<100000x128xf32, #tpu.memory_space<hbm>>) dst(%dma_wait3A_54 : memref<125x128xf32, #tpu.memory_space<vmem>>)
    %scan3A_63 = arith.constant 0 : i32
    %scan3A_64 = arith.constant 0 : i32
    %scan3A_65 = arith.constant 125 : i32
    %scan3A_66 = arith.addi %scan3A_64, %scan3A_65 : i32
    %scan3A_67 = arith.constant 1 : i32
    scf.for %scan3A_214 = %scan3A_64 to %scan3A_66 step %scan3A_67  : i32 {
      %get3A = arith.constant 0 : i32
      %get3A_215 = arith.index_cast %get3A : i32 to index
      %get3A_216 = arith.index_cast %scan3A_214 : i32 to index
      %get3A_217 = arith.constant 0 : index
      %get3A_218 = tpu.vector_load %arg12[%get3A_215, %get3A_216, %get3A_217] {strides = array<i32>} : memref<2x125x128xf32, #tpu.memory_space<vmem>>, vector<1x1x16xf32>,
      %get3A_219 = vector.shape_cast %get3A_218 : vector<1x1x16xf32> to vector<16xf32>
      %get3A_220 = arith.index_cast %scan3A_214 : i32 to index
      %get3A_221 = arith.constant 0 : index
      %get3A_222 = tpu.vector_load %arg14[%get3A_220, %get3A_221] {strides = array<i32>} : memref<125x64xf32, #tpu.memory_space<vmem>>, vector<1x16xf32>,
      %get3A_223 = vector.shape_cast %get3A_222 : vector<1x16xf32> to vector<16xf32>
      %add3A_224 = arith.addf %get3A_219, %get3A_223 : vector<16xf32>
      %swap3A = arith.constant 0 : i32
      %swap3A_225 = arith.index_cast %swap3A : i32 to index
      %swap3A_226 = arith.index_cast %scan3A_214 : i32 to index
      %swap3A_227 = arith.constant 0 : index
      %swap3A_228 = tpu.vector_load %arg13[%swap3A_225, %swap3A_226, %swap3A_227] {strides = array<i32>} : memref<2x125x64xf32, #tpu.memory_space<vmem>>, vector<1x1x16xf32>,
      %swap3A_229 = vector.shape_cast %swap3A_228 : vector<1x1x16xf32> to vector<16xf32>
      %swap3A_230 = vector.shape_cast %add3A_224 : vector<16xf32> to vector<1x1x16xf32>
      tpu.vector_store %arg13[%swap3A_225, %swap3A_226, %swap3A_227], %swap3A_230 {strides = array<i32>} : memref<2x125x64xf32, #tpu.memory_space<vmem>>, vector<1x1x16xf32>,
      %get3A_231 = arith.constant 0 : i32
      %get3A_232 = arith.index_cast %get3A_231 : i32 to index
      %get3A_233 = arith.index_cast %scan3A_214 : i32 to index
      %get3A_234 = arith.constant 16 : index
      %get3A_235 = tpu.vector_load %arg12[%get3A_232, %get3A_233, %get3A_234] {strides = array<i32>} : memref<2x125x128xf32, #tpu.memory_space<vmem>>, vector<1x1x16xf32>,
      %get3A_236 = vector.shape_cast %get3A_235 : vector<1x1x16xf32> to vector<16xf32>
      %get3A_237 = arith.index_cast %scan3A_214 : i32 to index
      %get3A_238 = arith.constant 16 : index
      %get3A_239 = tpu.vector_load %arg14[%get3A_237, %get3A_238] {strides = array<i32>} : memref<125x64xf32, #tpu.memory_space<vmem>>, vector<1x16xf32>,
      %get3A_240 = vector.shape_cast %get3A_239 : vector<1x16xf32> to vector<16xf32>
      %add3A_241 = arith.addf %get3A_236, %get3A_240 : vector<16xf32>
      %swap3A_242 = arith.constant 0 : i32
      %swap3A_243 = arith.index_cast %swap3A_242 : i32 to index
      %swap3A_244 = arith.index_cast %scan3A_214 : i32 to index
      %swap3A_245 = arith.constant 16 : index
      %swap3A_246 = tpu.vector_load %arg13[%swap3A_243, %swap3A_244, %swap3A_245] {strides = array<i32>} : memref<2x125x64xf32, #tpu.memory_space<vmem>>, vector<1x1x16xf32>,
      %swap3A_247 = vector.shape_cast %swap3A_246 : vector<1x1x16xf32> to vector<16xf32>
      %swap3A_248 = vector.shape_cast %add3A_241 : vector<16xf32> to vector<1x1x16xf32>
      tpu.vector_store %arg13[%swap3A_243, %swap3A_244, %swap3A_245], %swap3A_248 {strides = array<i32>} : memref<2x125x64xf32, #tpu.memory_space<vmem>>, vector<1x1x16xf32>,
      %get3A_249 = arith.constant 0 : i32
      %get3A_250 = arith.index_cast %get3A_249 : i32 to index
      %get3A_251 = arith.index_cast %scan3A_214 : i32 to index
      %get3A_252 = arith.constant 32 : index
      %get3A_253 = tpu.vector_load %arg12[%get3A_250, %get3A_251, %get3A_252] {strides = array<i32>} : memref<2x125x128xf32, #tpu.memory_space<vmem>>, vector<1x1x16xf32>,
      %get3A_254 = vector.shape_cast %get3A_253 : vector<1x1x16xf32> to vector<16xf32>
      %get3A_255 = arith.index_cast %scan3A_214 : i32 to index
      %get3A_256 = arith.constant 32 : index
      %get3A_257 = tpu.vector_load %arg14[%get3A_255, %get3A_256] {strides = array<i32>} : memref<125x64xf32, #tpu.memory_space<vmem>>, vector<1x16xf32>,
      %get3A_258 = vector.shape_cast %get3A_257 : vector<1x16xf32> to vector<16xf32>
      %add3A_259 = arith.addf %get3A_254, %get3A_258 : vector<16xf32>
      %swap3A_260 = arith.constant 0 : i32
      %swap3A_261 = arith.index_cast %swap3A_260 : i32 to index
      %swap3A_262 = arith.index_cast %scan3A_214 : i32 to index
      %swap3A_263 = arith.constant 32 : index
      %swap3A_264 = tpu.vector_load %arg13[%swap3A_261, %swap3A_262, %swap3A_263] {strides = array<i32>} : memref<2x125x64xf32, #tpu.memory_space<vmem>>, vector<1x1x16xf32>,
      %swap3A_265 = vector.shape_cast %swap3A_264 : vector<1x1x16xf32> to vector<16xf32>
      %swap3A_266 = vector.shape_cast %add3A_259 : vector<16xf32> to vector<1x1x16xf32>
      tpu.vector_store %arg13[%swap3A_261, %swap3A_262, %swap3A_263], %swap3A_266 {strides = array<i32>} : memref<2x125x64xf32, #tpu.memory_space<vmem>>, vector<1x1x16xf32>,
      %get3A_267 = arith.constant 0 : i32
      %get3A_268 = arith.index_cast %get3A_267 : i32 to index
      %get3A_269 = arith.index_cast %scan3A_214 : i32 to index
      %get3A_270 = arith.constant 48 : index
      %get3A_271 = tpu.vector_load %arg12[%get3A_268, %get3A_269, %get3A_270] {strides = array<i32>} : memref<2x125x128xf32, #tpu.memory_space<vmem>>, vector<1x1x16xf32>,
      %get3A_272 = vector.shape_cast %get3A_271 : vector<1x1x16xf32> to vector<16xf32>
      %get3A_273 = arith.index_cast %scan3A_214 : i32 to index
      %get3A_274 = arith.constant 48 : index
      %get3A_275 = tpu.vector_load %arg14[%get3A_273, %get3A_274] {strides = array<i32>} : memref<125x64xf32, #tpu.memory_space<vmem>>, vector<1x16xf32>,
      %get3A_276 = vector.shape_cast %get3A_275 : vector<1x16xf32> to vector<16xf32>
      %add3A_277 = arith.addf %get3A_272, %get3A_276 : vector<16xf32>
      %swap3A_278 = arith.constant 0 : i32
      %swap3A_279 = arith.index_cast %swap3A_278 : i32 to index
      %swap3A_280 = arith.index_cast %scan3A_214 : i32 to index
      %swap3A_281 = arith.constant 48 : index
      %swap3A_282 = tpu.vector_load %arg13[%swap3A_279, %swap3A_280, %swap3A_281] {strides = array<i32>} : memref<2x125x64xf32, #tpu.memory_space<vmem>>, vector<1x1x16xf32>,
      %swap3A_283 = vector.shape_cast %swap3A_282 : vector<1x1x16xf32> to vector<16xf32>
      %swap3A_284 = vector.shape_cast %add3A_277 : vector<16xf32> to vector<1x1x16xf32>
      tpu.vector_store %arg13[%swap3A_279, %swap3A_280, %swap3A_281], %swap3A_284 {strides = array<i32>} : memref<2x125x64xf32, #tpu.memory_space<vmem>>, vector<1x1x16xf32>,
    }
    %scan3A_68 = arith.constant 125 : i32
    %dma_start3A_69 = arith.constant 2 : i32
    %dma_start3A_70 = arith.constant 0 : i32
    %dma_start3A_71 = arith.constant 0 : i32
    %dma_start3A_72 = arith.constant 0 : i32
    %dma_start3A_73 = arith.constant 0 : i32
    %dma_start3A_74 = tpu.memref_slice %arg12[%dma_start3A_70, %dma_start3A_72, %dma_start3A_73] : memref<2x125x128xf32, #tpu.memory_space<vmem>> -> memref<1x125x128xf32, #tpu.memory_space<vmem>>
    %dma_start3A_75 = tpu.memref_squeeze %dma_start3A_74 : memref<1x125x128xf32, #tpu.memory_space<vmem>> -> memref<125x128xf32, #tpu.memory_space<vmem>>
    %dma_start3A_76 = arith.constant 0 : i32
    %dma_start3A_77 = tpu.memref_slice %arg11[%dma_start3A_69, %dma_start3A_76] : memref<128x125xi32, #tpu.memory_space<vmem>> -> memref<1x125xi32, #tpu.memory_space<vmem>>
    %dma_start3A_78 = tpu.memref_squeeze %dma_start3A_77 : memref<1x125xi32, #tpu.memory_space<vmem>> -> memref<125xi32, #tpu.memory_space<vmem>>
    %dma_start3A_79 = arith.constant 0 : i32
    %dma_start3A_80 = arith.constant 0 : i32
    %dma_start3A_81 = tpu.memref_slice %arg3[%dma_start3A_79, %dma_start3A_80] : memref<100000x128xf32, #tpu.memory_space<hbm>> -> memref<100000x128xf32, #tpu.memory_space<hbm>>
    %dma_start3A_82 = tpu.memref_slice %arg17[%dma_start3A_71] : memref<2x!tpu.dma_semaphore, #tpu.memory_space<semaphore_mem>> -> memref<1x!tpu.dma_semaphore, #tpu.memory_space<semaphore_mem>>
    %dma_start3A_83 = tpu.memref_squeeze %dma_start3A_82 : memref<1x!tpu.dma_semaphore, #tpu.memory_space<semaphore_mem>> -> memref<!tpu.dma_semaphore, #tpu.memory_space<semaphore_mem>>
    tpu.enqueue_indirect_dma source(%dma_start3A_81 : memref<100000x128xf32, #tpu.memory_space<hbm>>) target(%dma_start3A_75 : memref<125x128xf32, #tpu.memory_space<vmem>>) offsets(%dma_start3A_78 : memref<125xi32, #tpu.memory_space<vmem>>) semaphore(%dma_start3A_83 : memref<!tpu.dma_semaphore, #tpu.memory_space<semaphore_mem>>)
    %add3A_84 = arith.constant 0 : i32
    %add3A_85 = arith.addi %mul3A_2, %add3A_84 : i32
    %dma_start3A_86 = arith.constant 0 : i32
    %dma_start3A_87 = arith.constant 0 : i32
    %dma_start3A_88 = arith.constant 0 : i32
    %dma_start3A_89 = arith.constant 0 : i32
    %dma_start3A_90 = tpu.memref_slice %arg13[%dma_start3A_86, %dma_start3A_88, %dma_start3A_89] : memref<2x125x64xf32, #tpu.memory_space<vmem>> -> memref<1x125x64xf32, #tpu.memory_space<vmem>>
    %dma_start3A_91 = tpu.memref_squeeze %dma_start3A_90 : memref<1x125x64xf32, #tpu.memory_space<vmem>> -> memref<125x64xf32, #tpu.memory_space<vmem>>
    %dma_start3A_92 = arith.constant 0 : i32
    %dma_start3A_93 = arith.constant 0 : i32
    %dma_start3A_94 = tpu.memref_slice %arg8[%add3A_85, %dma_start3A_92, %dma_start3A_93] : memref<4096x125x64xf32, #tpu.memory_space<hbm>> -> memref<1x125x64xf32, #tpu.memory_space<hbm>>
    %dma_start3A_95 = tpu.memref_squeeze %dma_start3A_94 : memref<1x125x64xf32, #tpu.memory_space<hbm>> -> memref<125x64xf32, #tpu.memory_space<hbm>>
    %dma_start3A_96 = tpu.memref_slice %arg18[%dma_start3A_87] : memref<2x!tpu.dma_semaphore, #tpu.memory_space<semaphore_mem>> -> memref<1x!tpu.dma_semaphore, #tpu.memory_space<semaphore_mem>>
    %dma_start3A_97 = tpu.memref_squeeze %dma_start3A_96 : memref<1x!tpu.dma_semaphore, #tpu.memory_space<semaphore_mem>> -> memref<!tpu.dma_semaphore, #tpu.memory_space<semaphore_mem>>
    %dma_start3A_98 = arith.constant 0 : i32
    %dma_start3A_99 = arith.constant 0 : i32
    %dma_start3A_100 = tpu.memref_slice %arg8[%add3A_85, %dma_start3A_98, %dma_start3A_99] : memref<4096x125x64xf32, #tpu.memory_space<hbm>> -> memref<1x125x64xf32, #tpu.memory_space<hbm>>
    %dma_start3A_101 = tpu.memref_squeeze %dma_start3A_100 : memref<1x125x64xf32, #tpu.memory_space<hbm>> -> memref<125x64xf32, #tpu.memory_space<hbm>>
    %dma_start3A_102 = arith.constant 0 : i32
    %dma_start3A_103 = arith.constant 0 : i32
    %dma_start3A_104 = tpu.memref_slice %arg13[%dma_start3A_86, %dma_start3A_102, %dma_start3A_103] : memref<2x125x64xf32, #tpu.memory_space<vmem>> -> memref<1x125x64xf32, #tpu.memory_space<vmem>>
    %dma_start3A_105 = tpu.memref_squeeze %dma_start3A_104 : memref<1x125x64xf32, #tpu.memory_space<vmem>> -> memref<125x64xf32, #tpu.memory_space<vmem>>
    tpu.enqueue_dma source(%dma_start3A_105 : memref<125x64xf32, #tpu.memory_space<vmem>>) target(%dma_start3A_101 : memref<125x64xf32, #tpu.memory_space<hbm>>) target_semaphore(%dma_start3A_97 : memref<!tpu.dma_semaphore, #tpu.memory_space<semaphore_mem>>)
    %dma_wait3A_106 = arith.constant 1 : i32
    %dma_wait3A_107 = arith.constant 1 : i32
    %dma_wait3A_108 = arith.constant 1 : i32
    %dma_wait3A_109 = arith.constant 0 : i32
    %dma_wait3A_110 = arith.constant 0 : i32
    %dma_wait3A_111 = tpu.memref_slice %arg12[%dma_wait3A_107, %dma_wait3A_109, %dma_wait3A_110] : memref<2x125x128xf32, #tpu.memory_space<vmem>> -> memref<1x125x128xf32, #tpu.memory_space<vmem>>
    %dma_wait3A_112 = tpu.memref_squeeze %dma_wait3A_111 : memref<1x125x128xf32, #tpu.memory_space<vmem>> -> memref<125x128xf32, #tpu.memory_space<vmem>>
    %dma_wait3A_113 = arith.constant 0 : i32
    %dma_wait3A_114 = tpu.memref_slice %arg11[%dma_wait3A_106, %dma_wait3A_113] : memref<128x125xi32, #tpu.memory_space<vmem>> -> memref<1x125xi32, #tpu.memory_space<vmem>>
    %dma_wait3A_115 = tpu.memref_squeeze %dma_wait3A_114 : memref<1x125xi32, #tpu.memory_space<vmem>> -> memref<125xi32, #tpu.memory_space<vmem>>
    %dma_wait3A_116 = arith.constant 0 : i32
    %dma_wait3A_117 = arith.constant 0 : i32
    %dma_wait3A_118 = tpu.memref_slice %arg3[%dma_wait3A_116, %dma_wait3A_117] : memref<100000x128xf32, #tpu.memory_space<hbm>> -> memref<100000x128xf32, #tpu.memory_space<hbm>>
    %dma_wait3A_119 = tpu.memref_slice %arg17[%dma_wait3A_108] : memref<2x!tpu.dma_semaphore, #tpu.memory_space<semaphore_mem>> -> memref<1x!tpu.dma_semaphore, #tpu.memory_space<semaphore_mem>>
    %dma_wait3A_120 = tpu.memref_squeeze %dma_wait3A_119 : memref<1x!tpu.dma_semaphore, #tpu.memory_space<semaphore_mem>> -> memref<!tpu.dma_semaphore, #tpu.memory_space<semaphore_mem>>
    tpu.wait_indirect_dma semaphore(%dma_wait3A_120 : memref<!tpu.dma_semaphore, #tpu.memory_space<semaphore_mem>>) src(%dma_wait3A_118 : memref<100000x128xf32, #tpu.memory_space<hbm>>) dst(%dma_wait3A_112 : memref<125x128xf32, #tpu.memory_space<vmem>>)
    %scan3A_121 = arith.constant 0 : i32
    %scan3A_122 = arith.constant 0 : i32
    %scan3A_123 = arith.constant 125 : i32
    %scan3A_124 = arith.addi %scan3A_122, %scan3A_123 : i32
    %scan3A_125 = arith.constant 1 : i32
    scf.for %scan3A_214 = %scan3A_122 to %scan3A_124 step %scan3A_125  : i32 {
      %get3A = arith.constant 1 : i32
      %get3A_215 = arith.index_cast %get3A : i32 to index
      %get3A_216 = arith.index_cast %scan3A_214 : i32 to index
      %get3A_217 = arith.constant 0 : index
      %get3A_218 = tpu.vector_load %arg12[%get3A_215, %get3A_216, %get3A_217] {strides = array<i32>} : memref<2x125x128xf32, #tpu.memory_space<vmem>>, vector<1x1x16xf32>,
      %get3A_219 = vector.shape_cast %get3A_218 : vector<1x1x16xf32> to vector<16xf32>
      %get3A_220 = arith.index_cast %scan3A_214 : i32 to index
      %get3A_221 = arith.constant 0 : index
      %get3A_222 = tpu.vector_load %arg14[%get3A_220, %get3A_221] {strides = array<i32>} : memref<125x64xf32, #tpu.memory_space<vmem>>, vector<1x16xf32>,
      %get3A_223 = vector.shape_cast %get3A_222 : vector<1x16xf32> to vector<16xf32>
      %add3A_224 = arith.addf %get3A_219, %get3A_223 : vector<16xf32>
      %swap3A = arith.constant 1 : i32
      %swap3A_225 = arith.index_cast %swap3A : i32 to index
      %swap3A_226 = arith.index_cast %scan3A_214 : i32 to index
      %swap3A_227 = arith.constant 0 : index
      %swap3A_228 = tpu.vector_load %arg13[%swap3A_225, %swap3A_226, %swap3A_227] {strides = array<i32>} : memref<2x125x64xf32, #tpu.memory_space<vmem>>, vector<1x1x16xf32>,
      %swap3A_229 = vector.shape_cast %swap3A_228 : vector<1x1x16xf32> to vector<16xf32>
      %swap3A_230 = vector.shape_cast %add3A_224 : vector<16xf32> to vector<1x1x16xf32>
      tpu.vector_store %arg13[%swap3A_225, %swap3A_226, %swap3A_227], %swap3A_230 {strides = array<i32>} : memref<2x125x64xf32, #tpu.memory_space<vmem>>, vector<1x1x16xf32>,
      %get3A_231 = arith.constant 1 : i32
      %get3A_232 = arith.index_cast %get3A_231 : i32 to index
      %get3A_233 = arith.index_cast %scan3A_214 : i32 to index
      %get3A_234 = arith.constant 16 : index
      %get3A_235 = tpu.vector_load %arg12[%get3A_232, %get3A_233, %get3A_234] {strides = array<i32>} : memref<2x125x128xf32, #tpu.memory_space<vmem>>, vector<1x1x16xf32>,
      %get3A_236 = vector.shape_cast %get3A_235 : vector<1x1x16xf32> to vector<16xf32>
      %get3A_237 = arith.index_cast %scan3A_214 : i32 to index
      %get3A_238 = arith.constant 16 : index
      %get3A_239 = tpu.vector_load %arg14[%get3A_237, %get3A_238] {strides = array<i32>} : memref<125x64xf32, #tpu.memory_space<vmem>>, vector<1x16xf32>,
      %get3A_240 = vector.shape_cast %get3A_239 : vector<1x16xf32> to vector<16xf32>
      %add3A_241 = arith.addf %get3A_236, %get3A_240 : vector<16xf32>
      %swap3A_242 = arith.constant 1 : i32
      %swap3A_243 = arith.index_cast %swap3A_242 : i32 to index
      %swap3A_244 = arith.index_cast %scan3A_214 : i32 to index
      %swap3A_245 = arith.constant 16 : index
      %swap3A_246 = tpu.vector_load %arg13[%swap3A_243, %swap3A_244, %swap3A_245] {strides = array<i32>} : memref<2x125x64xf32, #tpu.memory_space<vmem>>, vector<1x1x16xf32>,
      %swap3A_247 = vector.shape_cast %swap3A_246 : vector<1x1x16xf32> to vector<16xf32>
      %swap3A_248 = vector.shape_cast %add3A_241 : vector<16xf32> to vector<1x1x16xf32>
      tpu.vector_store %arg13[%swap3A_243, %swap3A_244, %swap3A_245], %swap3A_248 {strides = array<i32>} : memref<2x125x64xf32, #tpu.memory_space<vmem>>, vector<1x1x16xf32>,
      %get3A_249 = arith.constant 1 : i32
      %get3A_250 = arith.index_cast %get3A_249 : i32 to index
      %get3A_251 = arith.index_cast %scan3A_214 : i32 to index
      %get3A_252 = arith.constant 32 : index
      %get3A_253 = tpu.vector_load %arg12[%get3A_250, %get3A_251, %get3A_252] {strides = array<i32>} : memref<2x125x128xf32, #tpu.memory_space<vmem>>, vector<1x1x16xf32>,
      %get3A_254 = vector.shape_cast %get3A_253 : vector<1x1x16xf32> to vector<16xf32>
      %get3A_255 = arith.index_cast %scan3A_214 : i32 to index
      %get3A_256 = arith.constant 32 : index
      %get3A_257 = tpu.vector_load %arg14[%get3A_255, %get3A_256] {strides = array<i32>} : memref<125x64xf32, #tpu.memory_space<vmem>>, vector<1x16xf32>,
      %get3A_258 = vector.shape_cast %get3A_257 : vector<1x16xf32> to vector<16xf32>
      %add3A_259 = arith.addf %get3A_254, %get3A_258 : vector<16xf32>
      %swap3A_260 = arith.constant 1 : i32
      %swap3A_261 = arith.index_cast %swap3A_260 : i32 to index
      %swap3A_262 = arith.index_cast %scan3A_214 : i32 to index
      %swap3A_263 = arith.constant 32 : index
      %swap3A_264 = tpu.vector_load %arg13[%swap3A_261, %swap3A_262, %swap3A_263] {strides = array<i32>} : memref<2x125x64xf32, #tpu.memory_space<vmem>>, vector<1x1x16xf32>,
      %swap3A_265 = vector.shape_cast %swap3A_264 : vector<1x1x16xf32> to vector<16xf32>
      %swap3A_266 = vector.shape_cast %add3A_259 : vector<16xf32> to vector<1x1x16xf32>
      tpu.vector_store %arg13[%swap3A_261, %swap3A_262, %swap3A_263], %swap3A_266 {strides = array<i32>} : memref<2x125x64xf32, #tpu.memory_space<vmem>>, vector<1x1x16xf32>,
      %get3A_267 = arith.constant 1 : i32
      %get3A_268 = arith.index_cast %get3A_267 : i32 to index
      %get3A_269 = arith.index_cast %scan3A_214 : i32 to index
      %get3A_270 = arith.constant 48 : index
      %get3A_271 = tpu.vector_load %arg12[%get3A_268, %get3A_269, %get3A_270] {strides = array<i32>} : memref<2x125x128xf32, #tpu.memory_space<vmem>>, vector<1x1x16xf32>,
      %get3A_272 = vector.shape_cast %get3A_271 : vector<1x1x16xf32> to vector<16xf32>
      %get3A_273 = arith.index_cast %scan3A_214 : i32 to index
      %get3A_274 = arith.constant 48 : index
      %get3A_275 = tpu.vector_load %arg14[%get3A_273, %get3A_274] {strides = array<i32>} : memref<125x64xf32, #tpu.memory_space<vmem>>, vector<1x16xf32>,
      %get3A_276 = vector.shape_cast %get3A_275 : vector<1x16xf32> to vector<16xf32>
      %add3A_277 = arith.addf %get3A_272, %get3A_276 : vector<16xf32>
      %swap3A_278 = arith.constant 1 : i32
      %swap3A_279 = arith.index_cast %swap3A_278 : i32 to index
      %swap3A_280 = arith.index_cast %scan3A_214 : i32 to index
      %swap3A_281 = arith.constant 48 : index
      %swap3A_282 = tpu.vector_load %arg13[%swap3A_279, %swap3A_280, %swap3A_281] {strides = array<i32>} : memref<2x125x64xf32, #tpu.memory_space<vmem>>, vector<1x1x16xf32>,
      %swap3A_283 = vector.shape_cast %swap3A_282 : vector<1x1x16xf32> to vector<16xf32>
      %swap3A_284 = vector.shape_cast %add3A_277 : vector<16xf32> to vector<1x1x16xf32>
      tpu.vector_store %arg13[%swap3A_279, %swap3A_280, %swap3A_281], %swap3A_284 {strides = array<i32>} : memref<2x125x64xf32, #tpu.memory_space<vmem>>, vector<1x1x16xf32>,
    }
    %scan3A_126 = arith.constant 125 : i32
    %dma_start3A_127 = arith.constant 3 : i32
    %dma_start3A_128 = arith.constant 1 : i32
    %dma_start3A_129 = arith.constant 1 : i32
    %dma_start3A_130 = arith.constant 0 : i32
    %dma_start3A_131 = arith.constant 0 : i32
    %dma_start3A_132 = tpu.memref_slice %arg12[%dma_start3A_128, %dma_start3A_130, %dma_start3A_131] : memref<2x125x128xf32, #tpu.memory_space<vmem>> -> memref<1x125x128xf32, #tpu.memory_space<vmem>>
    %dma_start3A_133 = tpu.memref_squeeze %dma_start3A_132 : memref<1x125x128xf32, #tpu.memory_space<vmem>> -> memref<125x128xf32, #tpu.memory_space<vmem>>
    %dma_start3A_134 = arith.constant 0 : i32
    %dma_start3A_135 = tpu.memref_slice %arg11[%dma_start3A_127, %dma_start3A_134] : memref<128x125xi32, #tpu.memory_space<vmem>> -> memref<1x125xi32, #tpu.memory_space<vmem>>
    %dma_start3A_136 = tpu.memref_squeeze %dma_start3A_135 : memref<1x125xi32, #tpu.memory_space<vmem>> -> memref<125xi32, #tpu.memory_space<vmem>>
    %dma_start3A_137 = arith.constant 0 : i32
    %dma_start3A_138 = arith.constant 0 : i32
    %dma_start3A_139 = tpu.memref_slice %arg3[%dma_start3A_137, %dma_start3A_138] : memref<100000x128xf32, #tpu.memory_space<hbm>> -> memref<100000x128xf32, #tpu.memory_space<hbm>>
    %dma_start3A_140 = tpu.memref_slice %arg17[%dma_start3A_129] : memref<2x!tpu.dma_semaphore, #tpu.memory_space<semaphore_mem>> -> memref<1x!tpu.dma_semaphore, #tpu.memory_space<semaphore_mem>>
    %dma_start3A_141 = tpu.memref_squeeze %dma_start3A_140 : memref<1x!tpu.dma_semaphore, #tpu.memory_space<semaphore_mem>> -> memref<!tpu.dma_semaphore, #tpu.memory_space<semaphore_mem>>
    tpu.enqueue_indirect_dma source(%dma_start3A_139 : memref<100000x128xf32, #tpu.memory_space<hbm>>) target(%dma_start3A_133 : memref<125x128xf32, #tpu.memory_space<vmem>>) offsets(%dma_start3A_136 : memref<125xi32, #tpu.memory_space<vmem>>) semaphore(%dma_start3A_141 : memref<!tpu.dma_semaphore, #tpu.memory_space<semaphore_mem>>)
    %add3A_142 = arith.constant 1 : i32
    %add3A_143 = arith.addi %mul3A_2, %add3A_142 : i32
    %dma_start3A_144 = arith.constant 1 : i32
    %dma_start3A_145 = arith.constant 1 : i32
    %dma_start3A_146 = arith.constant 0 : i32
    %dma_start3A_147 = arith.constant 0 : i32
    %dma_start3A_148 = tpu.memref_slice %arg13[%dma_start3A_144, %dma_start3A_146, %dma_start3A_147] : memref<2x125x64xf32, #tpu.memory_space<vmem>> -> memref<1x125x64xf32, #tpu.memory_space<vmem>>
    %dma_start3A_149 = tpu.memref_squeeze %dma_start3A_148 : memref<1x125x64xf32, #tpu.memory_space<vmem>> -> memref<125x64xf32, #tpu.memory_space<vmem>>
    %dma_start3A_150 = arith.constant 0 : i32
    %dma_start3A_151 = arith.constant 0 : i32
    %dma_start3A_152 = tpu.memref_slice %arg8[%add3A_143, %dma_start3A_150, %dma_start3A_151] : memref<4096x125x64xf32, #tpu.memory_space<hbm>> -> memref<1x125x64xf32, #tpu.memory_space<hbm>>
    %dma_start3A_153 = tpu.memref_squeeze %dma_start3A_152 : memref<1x125x64xf32, #tpu.memory_space<hbm>> -> memref<125x64xf32, #tpu.memory_space<hbm>>
    %dma_start3A_154 = tpu.memref_slice %arg18[%dma_start3A_145] : memref<2x!tpu.dma_semaphore, #tpu.memory_space<semaphore_mem>> -> memref<1x!tpu.dma_semaphore, #tpu.memory_space<semaphore_mem>>
    %dma_start3A_155 = tpu.memref_squeeze %dma_start3A_154 : memref<1x!tpu.dma_semaphore, #tpu.memory_space<semaphore_mem>> -> memref<!tpu.dma_semaphore, #tpu.memory_space<semaphore_mem>>
    %dma_start3A_156 = arith.constant 0 : i32
    %dma_start3A_157 = arith.constant 0 : i32
    %dma_start3A_158 = tpu.memref_slice %arg8[%add3A_143, %dma_start3A_156, %dma_start3A_157] : memref<4096x125x64xf32, #tpu.memory_space<hbm>> -> memref<1x125x64xf32, #tpu.memory_space<hbm>>
    %dma_start3A_159 = tpu.memref_squeeze %dma_start3A_158 : memref<1x125x64xf32, #tpu.memory_space<hbm>> -> memref<125x64xf32, #tpu.memory_space<hbm>>
    %dma_start3A_160 = arith.constant 0 : i32
    %dma_start3A_161 = arith.constant 0 : i32
    %dma_start3A_162 = tpu.memref_slice %arg13[%dma_start3A_144, %dma_start3A_160, %dma_start3A_161] : memref<2x125x64xf32, #tpu.memory_space<vmem>> -> memref<1x125x64xf32, #tpu.memory_space<vmem>>
    %dma_start3A_163 = tpu.memref_squeeze %dma_start3A_162 : memref<1x125x64xf32, #tpu.memory_space<vmem>> -> memref<125x64xf32, #tpu.memory_space<vmem>>
    tpu.enqueue_dma source(%dma_start3A_163 : memref<125x64xf32, #tpu.memory_space<vmem>>) target(%dma_start3A_159 : memref<125x64xf32, #tpu.memory_space<hbm>>) target_semaphore(%dma_start3A_155 : memref<!tpu.dma_semaphore, #tpu.memory_space<semaphore_mem>>)
    %scan3A_164 = arith.constant 0 : i32
    %scan3A_165 = arith.constant 1 : i32
    %scan3A_166 = arith.constant 63 : i32
    %scan3A_167 = arith.addi %scan3A_165, %scan3A_166 : i32
    %scan3A_168 = arith.constant 1 : i32
    scf.for %scan3A_214 = %scan3A_165 to %scan3A_167 step %scan3A_168  : i32 {
      %mul3A_215 = arith.constant 2 : i32
      %mul3A_216 = arith.muli %mul3A_215, %scan3A_214 : i32
      %add3A_217 = arith.constant 0 : i32
      %add3A_218 = arith.addi %mul3A_216, %add3A_217 : i32
      %sub3A = arith.constant 2 : i32
      %sub3A_219 = arith.subi %add3A_218, %sub3A : i32
      %add3A_220 = arith.addi %mul3A_2, %sub3A_219 : i32
      %dma_wait3A_221 = arith.constant 0 : i32
      %dma_wait3A_222 = arith.constant 0 : i32
      %dma_wait3A_223 = arith.constant 0 : i32
      %dma_wait3A_224 = arith.constant 0 : i32
      %dma_wait3A_225 = tpu.memref_slice %arg13[%dma_wait3A_221, %dma_wait3A_223, %dma_wait3A_224] : memref<2x125x64xf32, #tpu.memory_space<vmem>> -> memref<1x125x64xf32, #tpu.memory_space<vmem>>
      %dma_wait3A_226 = tpu.memref_squeeze %dma_wait3A_225 : memref<1x125x64xf32, #tpu.memory_space<vmem>> -> memref<125x64xf32, #tpu.memory_space<vmem>>
      %dma_wait3A_227 = arith.constant 0 : i32
      %dma_wait3A_228 = arith.constant 0 : i32
      %dma_wait3A_229 = tpu.memref_slice %arg8[%add3A_220, %dma_wait3A_227, %dma_wait3A_228] : memref<4096x125x64xf32, #tpu.memory_space<hbm>> -> memref<1x125x64xf32, #tpu.memory_space<hbm>>
      %dma_wait3A_230 = tpu.memref_squeeze %dma_wait3A_229 : memref<1x125x64xf32, #tpu.memory_space<hbm>> -> memref<125x64xf32, #tpu.memory_space<hbm>>
      %dma_wait3A_231 = tpu.memref_slice %arg18[%dma_wait3A_222] : memref<2x!tpu.dma_semaphore, #tpu.memory_space<semaphore_mem>> -> memref<1x!tpu.dma_semaphore, #tpu.memory_space<semaphore_mem>>
      %dma_wait3A_232 = tpu.memref_squeeze %dma_wait3A_231 : memref<1x!tpu.dma_semaphore, #tpu.memory_space<semaphore_mem>> -> memref<!tpu.dma_semaphore, #tpu.memory_space<semaphore_mem>>
      %dma_wait3A_233 = arith.constant 0 : i32
      %dma_wait3A_234 = arith.constant 0 : i32
      %dma_wait3A_235 = tpu.memref_slice %arg8[%add3A_220, %dma_wait3A_233, %dma_wait3A_234] : memref<4096x125x64xf32, #tpu.memory_space<hbm>> -> memref<1x125x64xf32, #tpu.memory_space<hbm>>
      %dma_wait3A_236 = tpu.memref_squeeze %dma_wait3A_235 : memref<1x125x64xf32, #tpu.memory_space<hbm>> -> memref<125x64xf32, #tpu.memory_space<hbm>>
      %dma_wait3A_237 = arith.constant 0 : i32
      %dma_wait3A_238 = arith.constant 0 : i32
      %dma_wait3A_239 = tpu.memref_slice %arg13[%dma_wait3A_221, %dma_wait3A_237, %dma_wait3A_238] : memref<2x125x64xf32, #tpu.memory_space<vmem>> -> memref<1x125x64xf32, #tpu.memory_space<vmem>>
      %dma_wait3A_240 = tpu.memref_squeeze %dma_wait3A_239 : memref<1x125x64xf32, #tpu.memory_space<vmem>> -> memref<125x64xf32, #tpu.memory_space<vmem>>
      tpu.wait_dma2 semaphore(%dma_wait3A_232 : memref<!tpu.dma_semaphore, #tpu.memory_space<semaphore_mem>>) src(%dma_wait3A_240 : memref<125x64xf32, #tpu.memory_space<vmem>>) dst(%dma_wait3A_236 : memref<125x64xf32, #tpu.memory_space<hbm>>)
      %dma_wait3A_241 = arith.constant 0 : i32
      %dma_wait3A_242 = arith.constant 0 : i32
      %dma_wait3A_243 = arith.constant 0 : i32
      %dma_wait3A_244 = arith.constant 0 : i32
      %dma_wait3A_245 = tpu.memref_slice %arg12[%dma_wait3A_241, %dma_wait3A_243, %dma_wait3A_244] : memref<2x125x128xf32, #tpu.memory_space<vmem>> -> memref<1x125x128xf32, #tpu.memory_space<vmem>>
      %dma_wait3A_246 = tpu.memref_squeeze %dma_wait3A_245 : memref<1x125x128xf32, #tpu.memory_space<vmem>> -> memref<125x128xf32, #tpu.memory_space<vmem>>
      %dma_wait3A_247 = arith.constant 0 : i32
      %dma_wait3A_248 = tpu.memref_slice %arg11[%add3A_218, %dma_wait3A_247] : memref<128x125xi32, #tpu.memory_space<vmem>> -> memref<1x125xi32, #tpu.memory_space<vmem>>
      %dma_wait3A_249 = tpu.memref_squeeze %dma_wait3A_248 : memref<1x125xi32, #tpu.memory_space<vmem>> -> memref<125xi32, #tpu.memory_space<vmem>>
      %dma_wait3A_250 = arith.constant 0 : i32
      %dma_wait3A_251 = arith.constant 0 : i32
      %dma_wait3A_252 = tpu.memref_slice %arg3[%dma_wait3A_250, %dma_wait3A_251] : memref<100000x128xf32, #tpu.memory_space<hbm>> -> memref<100000x128xf32, #tpu.memory_space<hbm>>
      %dma_wait3A_253 = tpu.memref_slice %arg17[%dma_wait3A_242] : memref<2x!tpu.dma_semaphore, #tpu.memory_space<semaphore_mem>> -> memref<1x!tpu.dma_semaphore, #tpu.memory_space<semaphore_mem>>
      %dma_wait3A_254 = tpu.memref_squeeze %dma_wait3A_253 : memref<1x!tpu.dma_semaphore, #tpu.memory_space<semaphore_mem>> -> memref<!tpu.dma_semaphore, #tpu.memory_space<semaphore_mem>>
      tpu.wait_indirect_dma semaphore(%dma_wait3A_254 : memref<!tpu.dma_semaphore, #tpu.memory_space<semaphore_mem>>) src(%dma_wait3A_252 : memref<100000x128xf32, #tpu.memory_space<hbm>>) dst(%dma_wait3A_246 : memref<125x128xf32, #tpu.memory_space<vmem>>)
      %scan3A_255 = arith.constant 0 : i32
      %scan3A_256 = arith.constant 0 : i32
      %scan3A_257 = arith.constant 125 : i32
      %scan3A_258 = arith.addi %scan3A_256, %scan3A_257 : i32
      %scan3A_259 = arith.constant 1 : i32
      scf.for %scan3A_357 = %scan3A_256 to %scan3A_258 step %scan3A_259  : i32 {
        %get3A = arith.constant 0 : i32
        %get3A_358 = arith.index_cast %get3A : i32 to index
        %get3A_359 = arith.index_cast %scan3A_357 : i32 to index
        %get3A_360 = arith.constant 0 : index
        %get3A_361 = tpu.vector_load %arg12[%get3A_358, %get3A_359, %get3A_360] {strides = array<i32>} : memref<2x125x128xf32, #tpu.memory_space<vmem>>, vector<1x1x16xf32>,
        %get3A_362 = vector.shape_cast %get3A_361 : vector<1x1x16xf32> to vector<16xf32>
        %get3A_363 = arith.index_cast %scan3A_357 : i32 to index
        %get3A_364 = arith.constant 0 : index
        %get3A_365 = tpu.vector_load %arg14[%get3A_363, %get3A_364] {strides = array<i32>} : memref<125x64xf32, #tpu.memory_space<vmem>>, vector<1x16xf32>,
        %get3A_366 = vector.shape_cast %get3A_365 : vector<1x16xf32> to vector<16xf32>
        %add3A_367 = arith.addf %get3A_362, %get3A_366 : vector<16xf32>
        %swap3A = arith.constant 0 : i32
        %swap3A_368 = arith.index_cast %swap3A : i32 to index
        %swap3A_369 = arith.index_cast %scan3A_357 : i32 to index
        %swap3A_370 = arith.constant 0 : index
        %swap3A_371 = tpu.vector_load %arg13[%swap3A_368, %swap3A_369, %swap3A_370] {strides = array<i32>} : memref<2x125x64xf32, #tpu.memory_space<vmem>>, vector<1x1x16xf32>,
        %swap3A_372 = vector.shape_cast %swap3A_371 : vector<1x1x16xf32> to vector<16xf32>
        %swap3A_373 = vector.shape_cast %add3A_367 : vector<16xf32> to vector<1x1x16xf32>
        tpu.vector_store %arg13[%swap3A_368, %swap3A_369, %swap3A_370], %swap3A_373 {strides = array<i32>} : memref<2x125x64xf32, #tpu.memory_space<vmem>>, vector<1x1x16xf32>,
        %get3A_374 = arith.constant 0 : i32
        %get3A_375 = arith.index_cast %get3A_374 : i32 to index
        %get3A_376 = arith.index_cast %scan3A_357 : i32 to index
        %get3A_377 = arith.constant 16 : index
        %get3A_378 = tpu.vector_load %arg12[%get3A_375, %get3A_376, %get3A_377] {strides = array<i32>} : memref<2x125x128xf32, #tpu.memory_space<vmem>>, vector<1x1x16xf32>,
        %get3A_379 = vector.shape_cast %get3A_378 : vector<1x1x16xf32> to vector<16xf32>
        %get3A_380 = arith.index_cast %scan3A_357 : i32 to index
        %get3A_381 = arith.constant 16 : index
        %get3A_382 = tpu.vector_load %arg14[%get3A_380, %get3A_381] {strides = array<i32>} : memref<125x64xf32, #tpu.memory_space<vmem>>, vector<1x16xf32>,
        %get3A_383 = vector.shape_cast %get3A_382 : vector<1x16xf32> to vector<16xf32>
        %add3A_384 = arith.addf %get3A_379, %get3A_383 : vector<16xf32>
        %swap3A_385 = arith.constant 0 : i32
        %swap3A_386 = arith.index_cast %swap3A_385 : i32 to index
        %swap3A_387 = arith.index_cast %scan3A_357 : i32 to index
        %swap3A_388 = arith.constant 16 : index
        %swap3A_389 = tpu.vector_load %arg13[%swap3A_386, %swap3A_387, %swap3A_388] {strides = array<i32>} : memref<2x125x64xf32, #tpu.memory_space<vmem>>, vector<1x1x16xf32>,
        %swap3A_390 = vector.shape_cast %swap3A_389 : vector<1x1x16xf32> to vector<16xf32>
        %swap3A_391 = vector.shape_cast %add3A_384 : vector<16xf32> to vector<1x1x16xf32>
        tpu.vector_store %arg13[%swap3A_386, %swap3A_387, %swap3A_388], %swap3A_391 {strides = array<i32>} : memref<2x125x64xf32, #tpu.memory_space<vmem>>, vector<1x1x16xf32>,
        %get3A_392 = arith.constant 0 : i32
        %get3A_393 = arith.index_cast %get3A_392 : i32 to index
        %get3A_394 = arith.index_cast %scan3A_357 : i32 to index
        %get3A_395 = arith.constant 32 : index
        %get3A_396 = tpu.vector_load %arg12[%get3A_393, %get3A_394, %get3A_395] {strides = array<i32>} : memref<2x125x128xf32, #tpu.memory_space<vmem>>, vector<1x1x16xf32>,
        %get3A_397 = vector.shape_cast %get3A_396 : vector<1x1x16xf32> to vector<16xf32>
        %get3A_398 = arith.index_cast %scan3A_357 : i32 to index
        %get3A_399 = arith.constant 32 : index
        %get3A_400 = tpu.vector_load %arg14[%get3A_398, %get3A_399] {strides = array<i32>} : memref<125x64xf32, #tpu.memory_space<vmem>>, vector<1x16xf32>,
        %get3A_401 = vector.shape_cast %get3A_400 : vector<1x16xf32> to vector<16xf32>
        %add3A_402 = arith.addf %get3A_397, %get3A_401 : vector<16xf32>
        %swap3A_403 = arith.constant 0 : i32
        %swap3A_404 = arith.index_cast %swap3A_403 : i32 to index
        %swap3A_405 = arith.index_cast %scan3A_357 : i32 to index
        %swap3A_406 = arith.constant 32 : index
        %swap3A_407 = tpu.vector_load %arg13[%swap3A_404, %swap3A_405, %swap3A_406] {strides = array<i32>} : memref<2x125x64xf32, #tpu.memory_space<vmem>>, vector<1x1x16xf32>,
        %swap3A_408 = vector.shape_cast %swap3A_407 : vector<1x1x16xf32> to vector<16xf32>
        %swap3A_409 = vector.shape_cast %add3A_402 : vector<16xf32> to vector<1x1x16xf32>
        tpu.vector_store %arg13[%swap3A_404, %swap3A_405, %swap3A_406], %swap3A_409 {strides = array<i32>} : memref<2x125x64xf32, #tpu.memory_space<vmem>>, vector<1x1x16xf32>,
        %get3A_410 = arith.constant 0 : i32
        %get3A_411 = arith.index_cast %get3A_410 : i32 to index
        %get3A_412 = arith.index_cast %scan3A_357 : i32 to index
        %get3A_413 = arith.constant 48 : index
        %get3A_414 = tpu.vector_load %arg12[%get3A_411, %get3A_412, %get3A_413] {strides = array<i32>} : memref<2x125x128xf32, #tpu.memory_space<vmem>>, vector<1x1x16xf32>,
        %get3A_415 = vector.shape_cast %get3A_414 : vector<1x1x16xf32> to vector<16xf32>
        %get3A_416 = arith.index_cast %scan3A_357 : i32 to index
        %get3A_417 = arith.constant 48 : index
        %get3A_418 = tpu.vector_load %arg14[%get3A_416, %get3A_417] {strides = array<i32>} : memref<125x64xf32, #tpu.memory_space<vmem>>, vector<1x16xf32>,
        %get3A_419 = vector.shape_cast %get3A_418 : vector<1x16xf32> to vector<16xf32>
        %add3A_420 = arith.addf %get3A_415, %get3A_419 : vector<16xf32>
        %swap3A_421 = arith.constant 0 : i32
        %swap3A_422 = arith.index_cast %swap3A_421 : i32 to index
        %swap3A_423 = arith.index_cast %scan3A_357 : i32 to index
        %swap3A_424 = arith.constant 48 : index
        %swap3A_425 = tpu.vector_load %arg13[%swap3A_422, %swap3A_423, %swap3A_424] {strides = array<i32>} : memref<2x125x64xf32, #tpu.memory_space<vmem>>, vector<1x1x16xf32>,
        %swap3A_426 = vector.shape_cast %swap3A_425 : vector<1x1x16xf32> to vector<16xf32>
        %swap3A_427 = vector.shape_cast %add3A_420 : vector<16xf32> to vector<1x1x16xf32>
        tpu.vector_store %arg13[%swap3A_422, %swap3A_423, %swap3A_424], %swap3A_427 {strides = array<i32>} : memref<2x125x64xf32, #tpu.memory_space<vmem>>, vector<1x1x16xf32>,
      }
      %scan3A_260 = arith.constant 125 : i32
      %lt3A = arith.constant 63 : i32
      %lt3A_261 = arith.cmpi slt, %scan3A_214, %lt3A : i32
      %convert_element_type3A = arith.extui %lt3A_261 : i1 to i32
      %cond3A = arith.constant 0 : i32
      %cond3A_262 = arith.cmpi ne, %convert_element_type3A, %cond3A : i32
      scf.if %cond3A_262 {
        %add3A_357 = arith.constant 2 : i32
        %add3A_358 = arith.addi %add3A_218, %add3A_357 : i32
        %dma_start3A_359 = arith.constant 0 : i32
        %dma_start3A_360 = arith.constant 0 : i32
        %dma_start3A_361 = arith.constant 0 : i32
        %dma_start3A_362 = arith.constant 0 : i32
        %dma_start3A_363 = tpu.memref_slice %arg12[%dma_start3A_359, %dma_start3A_361, %dma_start3A_362] : memref<2x125x128xf32, #tpu.memory_space<vmem>> -> memref<1x125x128xf32, #tpu.memory_space<vmem>>
        %dma_start3A_364 = tpu.memref_squeeze %dma_start3A_363 : memref<1x125x128xf32, #tpu.memory_space<vmem>> -> memref<125x128xf32, #tpu.memory_space<vmem>>
        %dma_start3A_365 = arith.constant 0 : i32
        %dma_start3A_366 = tpu.memref_slice %arg11[%add3A_358, %dma_start3A_365] : memref<128x125xi32, #tpu.memory_space<vmem>> -> memref<1x125xi32, #tpu.memory_space<vmem>>
        %dma_start3A_367 = tpu.memref_squeeze %dma_start3A_366 : memref<1x125xi32, #tpu.memory_space<vmem>> -> memref<125xi32, #tpu.memory_space<vmem>>
        %dma_start3A_368 = arith.constant 0 : i32
        %dma_start3A_369 = arith.constant 0 : i32
        %dma_start3A_370 = tpu.memref_slice %arg3[%dma_start3A_368, %dma_start3A_369] : memref<100000x128xf32, #tpu.memory_space<hbm>> -> memref<100000x128xf32, #tpu.memory_space<hbm>>
        %dma_start3A_371 = tpu.memref_slice %arg17[%dma_start3A_360] : memref<2x!tpu.dma_semaphore, #tpu.memory_space<semaphore_mem>> -> memref<1x!tpu.dma_semaphore, #tpu.memory_space<semaphore_mem>>
        %dma_start3A_372 = tpu.memref_squeeze %dma_start3A_371 : memref<1x!tpu.dma_semaphore, #tpu.memory_space<semaphore_mem>> -> memref<!tpu.dma_semaphore, #tpu.memory_space<semaphore_mem>>
        tpu.enqueue_indirect_dma source(%dma_start3A_370 : memref<100000x128xf32, #tpu.memory_space<hbm>>) target(%dma_start3A_364 : memref<125x128xf32, #tpu.memory_space<vmem>>) offsets(%dma_start3A_367 : memref<125xi32, #tpu.memory_space<vmem>>) semaphore(%dma_start3A_372 : memref<!tpu.dma_semaphore, #tpu.memory_space<semaphore_mem>>)
      } else {
      }
      %add3A_263 = arith.addi %mul3A_2, %add3A_218 : i32
      %dma_start3A_264 = arith.constant 0 : i32
      %dma_start3A_265 = arith.constant 0 : i32
      %dma_start3A_266 = arith.constant 0 : i32
      %dma_start3A_267 = arith.constant 0 : i32
      %dma_start3A_268 = tpu.memref_slice %arg13[%dma_start3A_264, %dma_start3A_266, %dma_start3A_267] : memref<2x125x64xf32, #tpu.memory_space<vmem>> -> memref<1x125x64xf32, #tpu.memory_space<vmem>>
      %dma_start3A_269 = tpu.memref_squeeze %dma_start3A_268 : memref<1x125x64xf32, #tpu.memory_space<vmem>> -> memref<125x64xf32, #tpu.memory_space<vmem>>
      %dma_start3A_270 = arith.constant 0 : i32
      %dma_start3A_271 = arith.constant 0 : i32
      %dma_start3A_272 = tpu.memref_slice %arg8[%add3A_263, %dma_start3A_270, %dma_start3A_271] : memref<4096x125x64xf32, #tpu.memory_space<hbm>> -> memref<1x125x64xf32, #tpu.memory_space<hbm>>
      %dma_start3A_273 = tpu.memref_squeeze %dma_start3A_272 : memref<1x125x64xf32, #tpu.memory_space<hbm>> -> memref<125x64xf32, #tpu.memory_space<hbm>>
      %dma_start3A_274 = tpu.memref_slice %arg18[%dma_start3A_265] : memref<2x!tpu.dma_semaphore, #tpu.memory_space<semaphore_mem>> -> memref<1x!tpu.dma_semaphore, #tpu.memory_space<semaphore_mem>>
      %dma_start3A_275 = tpu.memref_squeeze %dma_start3A_274 : memref<1x!tpu.dma_semaphore, #tpu.memory_space<semaphore_mem>> -> memref<!tpu.dma_semaphore, #tpu.memory_space<semaphore_mem>>
      %dma_start3A_276 = arith.constant 0 : i32
      %dma_start3A_277 = arith.constant 0 : i32
      %dma_start3A_278 = tpu.memref_slice %arg8[%add3A_263, %dma_start3A_276, %dma_start3A_277] : memref<4096x125x64xf32, #tpu.memory_space<hbm>> -> memref<1x125x64xf32, #tpu.memory_space<hbm>>
      %dma_start3A_279 = tpu.memref_squeeze %dma_start3A_278 : memref<1x125x64xf32, #tpu.memory_space<hbm>> -> memref<125x64xf32, #tpu.memory_space<hbm>>
      %dma_start3A_280 = arith.constant 0 : i32
      %dma_start3A_281 = arith.constant 0 : i32
      %dma_start3A_282 = tpu.memref_slice %arg13[%dma_start3A_264, %dma_start3A_280, %dma_start3A_281] : memref<2x125x64xf32, #tpu.memory_space<vmem>> -> memref<1x125x64xf32, #tpu.memory_space<vmem>>
      %dma_start3A_283 = tpu.memref_squeeze %dma_start3A_282 : memref<1x125x64xf32, #tpu.memory_space<vmem>> -> memref<125x64xf32, #tpu.memory_space<vmem>>
      tpu.enqueue_dma source(%dma_start3A_283 : memref<125x64xf32, #tpu.memory_space<vmem>>) target(%dma_start3A_279 : memref<125x64xf32, #tpu.memory_space<hbm>>) target_semaphore(%dma_start3A_275 : memref<!tpu.dma_semaphore, #tpu.memory_space<semaphore_mem>>)
      %mul3A_284 = arith.constant 2 : i32
      %mul3A_285 = arith.muli %mul3A_284, %scan3A_214 : i32
      %add3A_286 = arith.constant 1 : i32
      %add3A_287 = arith.addi %mul3A_285, %add3A_286 : i32
      %sub3A_288 = arith.constant 2 : i32
      %sub3A_289 = arith.subi %add3A_287, %sub3A_288 : i32
      %add3A_290 = arith.addi %mul3A_2, %sub3A_289 : i32
      %dma_wait3A_291 = arith.constant 1 : i32
      %dma_wait3A_292 = arith.constant 1 : i32
      %dma_wait3A_293 = arith.constant 0 : i32
      %dma_wait3A_294 = arith.constant 0 : i32
      %dma_wait3A_295 = tpu.memref_slice %arg13[%dma_wait3A_291, %dma_wait3A_293, %dma_wait3A_294] : memref<2x125x64xf32, #tpu.memory_space<vmem>> -> memref<1x125x64xf32, #tpu.memory_space<vmem>>
      %dma_wait3A_296 = tpu.memref_squeeze %dma_wait3A_295 : memref<1x125x64xf32, #tpu.memory_space<vmem>> -> memref<125x64xf32, #tpu.memory_space<vmem>>
      %dma_wait3A_297 = arith.constant 0 : i32
      %dma_wait3A_298 = arith.constant 0 : i32
      %dma_wait3A_299 = tpu.memref_slice %arg8[%add3A_290, %dma_wait3A_297, %dma_wait3A_298] : memref<4096x125x64xf32, #tpu.memory_space<hbm>> -> memref<1x125x64xf32, #tpu.memory_space<hbm>>
      %dma_wait3A_300 = tpu.memref_squeeze %dma_wait3A_299 : memref<1x125x64xf32, #tpu.memory_space<hbm>> -> memref<125x64xf32, #tpu.memory_space<hbm>>
      %dma_wait3A_301 = tpu.memref_slice %arg18[%dma_wait3A_292] : memref<2x!tpu.dma_semaphore, #tpu.memory_space<semaphore_mem>> -> memref<1x!tpu.dma_semaphore, #tpu.memory_space<semaphore_mem>>
      %dma_wait3A_302 = tpu.memref_squeeze %dma_wait3A_301 : memref<1x!tpu.dma_semaphore, #tpu.memory_space<semaphore_mem>> -> memref<!tpu.dma_semaphore, #tpu.memory_space<semaphore_mem>>
      %dma_wait3A_303 = arith.constant 0 : i32
      %dma_wait3A_304 = arith.constant 0 : i32
      %dma_wait3A_305 = tpu.memref_slice %arg8[%add3A_290, %dma_wait3A_303, %dma_wait3A_304] : memref<4096x125x64xf32, #tpu.memory_space<hbm>> -> memref<1x125x64xf32, #tpu.memory_space<hbm>>
      %dma_wait3A_306 = tpu.memref_squeeze %dma_wait3A_305 : memref<1x125x64xf32, #tpu.memory_space<hbm>> -> memref<125x64xf32, #tpu.memory_space<hbm>>
      %dma_wait3A_307 = arith.constant 0 : i32
      %dma_wait3A_308 = arith.constant 0 : i32
      %dma_wait3A_309 = tpu.memref_slice %arg13[%dma_wait3A_291, %dma_wait3A_307, %dma_wait3A_308] : memref<2x125x64xf32, #tpu.memory_space<vmem>> -> memref<1x125x64xf32, #tpu.memory_space<vmem>>
      %dma_wait3A_310 = tpu.memref_squeeze %dma_wait3A_309 : memref<1x125x64xf32, #tpu.memory_space<vmem>> -> memref<125x64xf32, #tpu.memory_space<vmem>>
      tpu.wait_dma2 semaphore(%dma_wait3A_302 : memref<!tpu.dma_semaphore, #tpu.memory_space<semaphore_mem>>) src(%dma_wait3A_310 : memref<125x64xf32, #tpu.memory_space<vmem>>) dst(%dma_wait3A_306 : memref<125x64xf32, #tpu.memory_space<hbm>>)
      %dma_wait3A_311 = arith.constant 1 : i32
      %dma_wait3A_312 = arith.constant 1 : i32
      %dma_wait3A_313 = arith.constant 0 : i32
      %dma_wait3A_314 = arith.constant 0 : i32
      %dma_wait3A_315 = tpu.memref_slice %arg12[%dma_wait3A_311, %dma_wait3A_313, %dma_wait3A_314] : memref<2x125x128xf32, #tpu.memory_space<vmem>> -> memref<1x125x128xf32, #tpu.memory_space<vmem>>
      %dma_wait3A_316 = tpu.memref_squeeze %dma_wait3A_315 : memref<1x125x128xf32, #tpu.memory_space<vmem>> -> memref<125x128xf32, #tpu.memory_space<vmem>>
      %dma_wait3A_317 = arith.constant 0 : i32
      %dma_wait3A_318 = tpu.memref_slice %arg11[%add3A_287, %dma_wait3A_317] : memref<128x125xi32, #tpu.memory_space<vmem>> -> memref<1x125xi32, #tpu.memory_space<vmem>>
      %dma_wait3A_319 = tpu.memref_squeeze %dma_wait3A_318 : memref<1x125xi32, #tpu.memory_space<vmem>> -> memref<125xi32, #tpu.memory_space<vmem>>
      %dma_wait3A_320 = arith.constant 0 : i32
      %dma_wait3A_321 = arith.constant 0 : i32
      %dma_wait3A_322 = tpu.memref_slice %arg3[%dma_wait3A_320, %dma_wait3A_321] : memref<100000x128xf32, #tpu.memory_space<hbm>> -> memref<100000x128xf32, #tpu.memory_space<hbm>>
      %dma_wait3A_323 = tpu.memref_slice %arg17[%dma_wait3A_312] : memref<2x!tpu.dma_semaphore, #tpu.memory_space<semaphore_mem>> -> memref<1x!tpu.dma_semaphore, #tpu.memory_space<semaphore_mem>>
      %dma_wait3A_324 = tpu.memref_squeeze %dma_wait3A_323 : memref<1x!tpu.dma_semaphore, #tpu.memory_space<semaphore_mem>> -> memref<!tpu.dma_semaphore, #tpu.memory_space<semaphore_mem>>
      tpu.wait_indirect_dma semaphore(%dma_wait3A_324 : memref<!tpu.dma_semaphore, #tpu.memory_space<semaphore_mem>>) src(%dma_wait3A_322 : memref<100000x128xf32, #tpu.memory_space<hbm>>) dst(%dma_wait3A_316 : memref<125x128xf32, #tpu.memory_space<vmem>>)
      %scan3A_325 = arith.constant 0 : i32
      %scan3A_326 = arith.constant 0 : i32
      %scan3A_327 = arith.constant 125 : i32
      %scan3A_328 = arith.addi %scan3A_326, %scan3A_327 : i32
      %scan3A_329 = arith.constant 1 : i32
      scf.for %scan3A_357 = %scan3A_326 to %scan3A_328 step %scan3A_329  : i32 {
        %get3A = arith.constant 1 : i32
        %get3A_358 = arith.index_cast %get3A : i32 to index
        %get3A_359 = arith.index_cast %scan3A_357 : i32 to index
        %get3A_360 = arith.constant 0 : index
        %get3A_361 = tpu.vector_load %arg12[%get3A_358, %get3A_359, %get3A_360] {strides = array<i32>} : memref<2x125x128xf32, #tpu.memory_space<vmem>>, vector<1x1x16xf32>,
        %get3A_362 = vector.shape_cast %get3A_361 : vector<1x1x16xf32> to vector<16xf32>
        %get3A_363 = arith.index_cast %scan3A_357 : i32 to index
        %get3A_364 = arith.constant 0 : index
        %get3A_365 = tpu.vector_load %arg14[%get3A_363, %get3A_364] {strides = array<i32>} : memref<125x64xf32, #tpu.memory_space<vmem>>, vector<1x16xf32>,
        %get3A_366 = vector.shape_cast %get3A_365 : vector<1x16xf32> to vector<16xf32>
        %add3A_367 = arith.addf %get3A_362, %get3A_366 : vector<16xf32>
        %swap3A = arith.constant 1 : i32
        %swap3A_368 = arith.index_cast %swap3A : i32 to index
        %swap3A_369 = arith.index_cast %scan3A_357 : i32 to index
        %swap3A_370 = arith.constant 0 : index
        %swap3A_371 = tpu.vector_load %arg13[%swap3A_368, %swap3A_369, %swap3A_370] {strides = array<i32>} : memref<2x125x64xf32, #tpu.memory_space<vmem>>, vector<1x1x16xf32>,
        %swap3A_372 = vector.shape_cast %swap3A_371 : vector<1x1x16xf32> to vector<16xf32>
        %swap3A_373 = vector.shape_cast %add3A_367 : vector<16xf32> to vector<1x1x16xf32>
        tpu.vector_store %arg13[%swap3A_368, %swap3A_369, %swap3A_370], %swap3A_373 {strides = array<i32>} : memref<2x125x64xf32, #tpu.memory_space<vmem>>, vector<1x1x16xf32>,
        %get3A_374 = arith.constant 1 : i32
        %get3A_375 = arith.index_cast %get3A_374 : i32 to index
        %get3A_376 = arith.index_cast %scan3A_357 : i32 to index
        %get3A_377 = arith.constant 16 : index
        %get3A_378 = tpu.vector_load %arg12[%get3A_375, %get3A_376, %get3A_377] {strides = array<i32>} : memref<2x125x128xf32, #tpu.memory_space<vmem>>, vector<1x1x16xf32>,
        %get3A_379 = vector.shape_cast %get3A_378 : vector<1x1x16xf32> to vector<16xf32>
        %get3A_380 = arith.index_cast %scan3A_357 : i32 to index
        %get3A_381 = arith.constant 16 : index
        %get3A_382 = tpu.vector_load %arg14[%get3A_380, %get3A_381] {strides = array<i32>} : memref<125x64xf32, #tpu.memory_space<vmem>>, vector<1x16xf32>,
        %get3A_383 = vector.shape_cast %get3A_382 : vector<1x16xf32> to vector<16xf32>
        %add3A_384 = arith.addf %get3A_379, %get3A_383 : vector<16xf32>
        %swap3A_385 = arith.constant 1 : i32
        %swap3A_386 = arith.index_cast %swap3A_385 : i32 to index
        %swap3A_387 = arith.index_cast %scan3A_357 : i32 to index
        %swap3A_388 = arith.constant 16 : index
        %swap3A_389 = tpu.vector_load %arg13[%swap3A_386, %swap3A_387, %swap3A_388] {strides = array<i32>} : memref<2x125x64xf32, #tpu.memory_space<vmem>>, vector<1x1x16xf32>,
        %swap3A_390 = vector.shape_cast %swap3A_389 : vector<1x1x16xf32> to vector<16xf32>
        %swap3A_391 = vector.shape_cast %add3A_384 : vector<16xf32> to vector<1x1x16xf32>
        tpu.vector_store %arg13[%swap3A_386, %swap3A_387, %swap3A_388], %swap3A_391 {strides = array<i32>} : memref<2x125x64xf32, #tpu.memory_space<vmem>>, vector<1x1x16xf32>,
        %get3A_392 = arith.constant 1 : i32
        %get3A_393 = arith.index_cast %get3A_392 : i32 to index
        %get3A_394 = arith.index_cast %scan3A_357 : i32 to index
        %get3A_395 = arith.constant 32 : index
        %get3A_396 = tpu.vector_load %arg12[%get3A_393, %get3A_394, %get3A_395] {strides = array<i32>} : memref<2x125x128xf32, #tpu.memory_space<vmem>>, vector<1x1x16xf32>,
        %get3A_397 = vector.shape_cast %get3A_396 : vector<1x1x16xf32> to vector<16xf32>
        %get3A_398 = arith.index_cast %scan3A_357 : i32 to index
        %get3A_399 = arith.constant 32 : index
        %get3A_400 = tpu.vector_load %arg14[%get3A_398, %get3A_399] {strides = array<i32>} : memref<125x64xf32, #tpu.memory_space<vmem>>, vector<1x16xf32>,
        %get3A_401 = vector.shape_cast %get3A_400 : vector<1x16xf32> to vector<16xf32>
        %add3A_402 = arith.addf %get3A_397, %get3A_401 : vector<16xf32>
        %swap3A_403 = arith.constant 1 : i32
        %swap3A_404 = arith.index_cast %swap3A_403 : i32 to index
        %swap3A_405 = arith.index_cast %scan3A_357 : i32 to index
        %swap3A_406 = arith.constant 32 : index
        %swap3A_407 = tpu.vector_load %arg13[%swap3A_404, %swap3A_405, %swap3A_406] {strides = array<i32>} : memref<2x125x64xf32, #tpu.memory_space<vmem>>, vector<1x1x16xf32>,
        %swap3A_408 = vector.shape_cast %swap3A_407 : vector<1x1x16xf32> to vector<16xf32>
        %swap3A_409 = vector.shape_cast %add3A_402 : vector<16xf32> to vector<1x1x16xf32>
        tpu.vector_store %arg13[%swap3A_404, %swap3A_405, %swap3A_406], %swap3A_409 {strides = array<i32>} : memref<2x125x64xf32, #tpu.memory_space<vmem>>, vector<1x1x16xf32>,
        %get3A_410 = arith.constant 1 : i32
        %get3A_411 = arith.index_cast %get3A_410 : i32 to index
        %get3A_412 = arith.index_cast %scan3A_357 : i32 to index
        %get3A_413 = arith.constant 48 : index
        %get3A_414 = tpu.vector_load %arg12[%get3A_411, %get3A_412, %get3A_413] {strides = array<i32>} : memref<2x125x128xf32, #tpu.memory_space<vmem>>, vector<1x1x16xf32>,
        %get3A_415 = vector.shape_cast %get3A_414 : vector<1x1x16xf32> to vector<16xf32>
        %get3A_416 = arith.index_cast %scan3A_357 : i32 to index
        %get3A_417 = arith.constant 48 : index
        %get3A_418 = tpu.vector_load %arg14[%get3A_416, %get3A_417] {strides = array<i32>} : memref<125x64xf32, #tpu.memory_space<vmem>>, vector<1x16xf32>,
        %get3A_419 = vector.shape_cast %get3A_418 : vector<1x16xf32> to vector<16xf32>
        %add3A_420 = arith.addf %get3A_415, %get3A_419 : vector<16xf32>
        %swap3A_421 = arith.constant 1 : i32
        %swap3A_422 = arith.index_cast %swap3A_421 : i32 to index
        %swap3A_423 = arith.index_cast %scan3A_357 : i32 to index
        %swap3A_424 = arith.constant 48 : index
        %swap3A_425 = tpu.vector_load %arg13[%swap3A_422, %swap3A_423, %swap3A_424] {strides = array<i32>} : memref<2x125x64xf32, #tpu.memory_space<vmem>>, vector<1x1x16xf32>,
        %swap3A_426 = vector.shape_cast %swap3A_425 : vector<1x1x16xf32> to vector<16xf32>
        %swap3A_427 = vector.shape_cast %add3A_420 : vector<16xf32> to vector<1x1x16xf32>
        tpu.vector_store %arg13[%swap3A_422, %swap3A_423, %swap3A_424], %swap3A_427 {strides = array<i32>} : memref<2x125x64xf32, #tpu.memory_space<vmem>>, vector<1x1x16xf32>,
      }
      %scan3A_330 = arith.constant 125 : i32
      %lt3A_331 = arith.constant 63 : i32
      %lt3A_332 = arith.cmpi slt, %scan3A_214, %lt3A_331 : i32
      %convert_element_type3A_333 = arith.extui %lt3A_332 : i1 to i32
      %cond3A_334 = arith.constant 0 : i32
      %cond3A_335 = arith.cmpi ne, %convert_element_type3A_333, %cond3A_334 : i32
      scf.if %cond3A_335 {
        %add3A_357 = arith.constant 2 : i32
        %add3A_358 = arith.addi %add3A_287, %add3A_357 : i32
        %dma_start3A_359 = arith.constant 1 : i32
        %dma_start3A_360 = arith.constant 1 : i32
        %dma_start3A_361 = arith.constant 0 : i32
        %dma_start3A_362 = arith.constant 0 : i32
        %dma_start3A_363 = tpu.memref_slice %arg12[%dma_start3A_359, %dma_start3A_361, %dma_start3A_362] : memref<2x125x128xf32, #tpu.memory_space<vmem>> -> memref<1x125x128xf32, #tpu.memory_space<vmem>>
        %dma_start3A_364 = tpu.memref_squeeze %dma_start3A_363 : memref<1x125x128xf32, #tpu.memory_space<vmem>> -> memref<125x128xf32, #tpu.memory_space<vmem>>
        %dma_start3A_365 = arith.constant 0 : i32
        %dma_start3A_366 = tpu.memref_slice %arg11[%add3A_358, %dma_start3A_365] : memref<128x125xi32, #tpu.memory_space<vmem>> -> memref<1x125xi32, #tpu.memory_space<vmem>>
        %dma_start3A_367 = tpu.memref_squeeze %dma_start3A_366 : memref<1x125xi32, #tpu.memory_space<vmem>> -> memref<125xi32, #tpu.memory_space<vmem>>
        %dma_start3A_368 = arith.constant 0 : i32
        %dma_start3A_369 = arith.constant 0 : i32
        %dma_start3A_370 = tpu.memref_slice %arg3[%dma_start3A_368, %dma_start3A_369] : memref<100000x128xf32, #tpu.memory_space<hbm>> -> memref<100000x128xf32, #tpu.memory_space<hbm>>
        %dma_start3A_371 = tpu.memref_slice %arg17[%dma_start3A_360] : memref<2x!tpu.dma_semaphore, #tpu.memory_space<semaphore_mem>> -> memref<1x!tpu.dma_semaphore, #tpu.memory_space<semaphore_mem>>
        %dma_start3A_372 = tpu.memref_squeeze %dma_start3A_371 : memref<1x!tpu.dma_semaphore, #tpu.memory_space<semaphore_mem>> -> memref<!tpu.dma_semaphore, #tpu.memory_space<semaphore_mem>>
        tpu.enqueue_indirect_dma source(%dma_start3A_370 : memref<100000x128xf32, #tpu.memory_space<hbm>>) target(%dma_start3A_364 : memref<125x128xf32, #tpu.memory_space<vmem>>) offsets(%dma_start3A_367 : memref<125xi32, #tpu.memory_space<vmem>>) semaphore(%dma_start3A_372 : memref<!tpu.dma_semaphore, #tpu.memory_space<semaphore_mem>>)
      } else {
      }
      %add3A_336 = arith.addi %mul3A_2, %add3A_287 : i32
      %dma_start3A_337 = arith.constant 1 : i32
      %dma_start3A_338 = arith.constant 1 : i32
      %dma_start3A_339 = arith.constant 0 : i32
      %dma_start3A_340 = arith.constant 0 : i32
      %dma_start3A_341 = tpu.memref_slice %arg13[%dma_start3A_337, %dma_start3A_339, %dma_start3A_340] : memref<2x125x64xf32, #tpu.memory_space<vmem>> -> memref<1x125x64xf32, #tpu.memory_space<vmem>>
      %dma_start3A_342 = tpu.memref_squeeze %dma_start3A_341 : memref<1x125x64xf32, #tpu.memory_space<vmem>> -> memref<125x64xf32, #tpu.memory_space<vmem>>
      %dma_start3A_343 = arith.constant 0 : i32
      %dma_start3A_344 = arith.constant 0 : i32
      %dma_start3A_345 = tpu.memref_slice %arg8[%add3A_336, %dma_start3A_343, %dma_start3A_344] : memref<4096x125x64xf32, #tpu.memory_space<hbm>> -> memref<1x125x64xf32, #tpu.memory_space<hbm>>
      %dma_start3A_346 = tpu.memref_squeeze %dma_start3A_345 : memref<1x125x64xf32, #tpu.memory_space<hbm>> -> memref<125x64xf32, #tpu.memory_space<hbm>>
      %dma_start3A_347 = tpu.memref_slice %arg18[%dma_start3A_338] : memref<2x!tpu.dma_semaphore, #tpu.memory_space<semaphore_mem>> -> memref<1x!tpu.dma_semaphore, #tpu.memory_space<semaphore_mem>>
      %dma_start3A_348 = tpu.memref_squeeze %dma_start3A_347 : memref<1x!tpu.dma_semaphore, #tpu.memory_space<semaphore_mem>> -> memref<!tpu.dma_semaphore, #tpu.memory_space<semaphore_mem>>
      %dma_start3A_349 = arith.constant 0 : i32
      %dma_start3A_350 = arith.constant 0 : i32
      %dma_start3A_351 = tpu.memref_slice %arg8[%add3A_336, %dma_start3A_349, %dma_start3A_350] : memref<4096x125x64xf32, #tpu.memory_space<hbm>> -> memref<1x125x64xf32, #tpu.memory_space<hbm>>
      %dma_start3A_352 = tpu.memref_squeeze %dma_start3A_351 : memref<1x125x64xf32, #tpu.memory_space<hbm>> -> memref<125x64xf32, #tpu.memory_space<hbm>>
      %dma_start3A_353 = arith.constant 0 : i32
      %dma_start3A_354 = arith.constant 0 : i32
      %dma_start3A_355 = tpu.memref_slice %arg13[%dma_start3A_337, %dma_start3A_353, %dma_start3A_354] : memref<2x125x64xf32, #tpu.memory_space<vmem>> -> memref<1x125x64xf32, #tpu.memory_space<vmem>>
      %dma_start3A_356 = tpu.memref_squeeze %dma_start3A_355 : memref<1x125x64xf32, #tpu.memory_space<vmem>> -> memref<125x64xf32, #tpu.memory_space<vmem>>
      tpu.enqueue_dma source(%dma_start3A_356 : memref<125x64xf32, #tpu.memory_space<vmem>>) target(%dma_start3A_352 : memref<125x64xf32, #tpu.memory_space<hbm>>) target_semaphore(%dma_start3A_348 : memref<!tpu.dma_semaphore, #tpu.memory_space<semaphore_mem>>)
    }
    %scan3A_169 = arith.constant 63 : i32
    %add3A_170 = arith.constant 126 : i32
    %add3A_171 = arith.addi %mul3A_2, %add3A_170 : i32
    %dma_wait3A_172 = arith.constant 0 : i32
    %dma_wait3A_173 = arith.constant 0 : i32
    %dma_wait3A_174 = arith.constant 0 : i32
    %dma_wait3A_175 = arith.constant 0 : i32
    %dma_wait3A_176 = tpu.memref_slice %arg13[%dma_wait3A_172, %dma_wait3A_174, %dma_wait3A_175] : memref<2x125x64xf32, #tpu.memory_space<vmem>> -> memref<1x125x64xf32, #tpu.memory_space<vmem>>
    %dma_wait3A_177 = tpu.memref_squeeze %dma_wait3A_176 : memref<1x125x64xf32, #tpu.memory_space<vmem>> -> memref<125x64xf32, #tpu.memory_space<vmem>>
    %dma_wait3A_178 = arith.constant 0 : i32
    %dma_wait3A_179 = arith.constant 0 : i32
    %dma_wait3A_180 = tpu.memref_slice %arg8[%add3A_171, %dma_wait3A_178, %dma_wait3A_179] : memref<4096x125x64xf32, #tpu.memory_space<hbm>> -> memref<1x125x64xf32, #tpu.memory_space<hbm>>
    %dma_wait3A_181 = tpu.memref_squeeze %dma_wait3A_180 : memref<1x125x64xf32, #tpu.memory_space<hbm>> -> memref<125x64xf32, #tpu.memory_space<hbm>>
    %dma_wait3A_182 = tpu.memref_slice %arg18[%dma_wait3A_173] : memref<2x!tpu.dma_semaphore, #tpu.memory_space<semaphore_mem>> -> memref<1x!tpu.dma_semaphore, #tpu.memory_space<semaphore_mem>>
    %dma_wait3A_183 = tpu.memref_squeeze %dma_wait3A_182 : memref<1x!tpu.dma_semaphore, #tpu.memory_space<semaphore_mem>> -> memref<!tpu.dma_semaphore, #tpu.memory_space<semaphore_mem>>
    %dma_wait3A_184 = arith.constant 0 : i32
    %dma_wait3A_185 = arith.constant 0 : i32
    %dma_wait3A_186 = tpu.memref_slice %arg8[%add3A_171, %dma_wait3A_184, %dma_wait3A_185] : memref<4096x125x64xf32, #tpu.memory_space<hbm>> -> memref<1x125x64xf32, #tpu.memory_space<hbm>>
    %dma_wait3A_187 = tpu.memref_squeeze %dma_wait3A_186 : memref<1x125x64xf32, #tpu.memory_space<hbm>> -> memref<125x64xf32, #tpu.memory_space<hbm>>
    %dma_wait3A_188 = arith.constant 0 : i32
    %dma_wait3A_189 = arith.constant 0 : i32
    %dma_wait3A_190 = tpu.memref_slice %arg13[%dma_wait3A_172, %dma_wait3A_188, %dma_wait3A_189] : memref<2x125x64xf32, #tpu.memory_space<vmem>> -> memref<1x125x64xf32, #tpu.memory_space<vmem>>
    %dma_wait3A_191 = tpu.memref_squeeze %dma_wait3A_190 : memref<1x125x64xf32, #tpu.memory_space<vmem>> -> memref<125x64xf32, #tpu.memory_space<vmem>>
    tpu.wait_dma2 semaphore(%dma_wait3A_183 : memref<!tpu.dma_semaphore, #tpu.memory_space<semaphore_mem>>) src(%dma_wait3A_191 : memref<125x64xf32, #tpu.memory_space<vmem>>) dst(%dma_wait3A_187 : memref<125x64xf32, #tpu.memory_space<hbm>>)
    %add3A_192 = arith.constant 127 : i32
    %add3A_193 = arith.addi %mul3A_2, %add3A_192 : i32
    %dma_wait3A_194 = arith.constant 1 : i32
    %dma_wait3A_195 = arith.constant 1 : i32
    %dma_wait3A_196 = arith.constant 0 : i32
    %dma_wait3A_197 = arith.constant 0 : i32
    %dma_wait3A_198 = tpu.memref_slice %arg13[%dma_wait3A_194, %dma_wait3A_196, %dma_wait3A_197] : memref<2x125x64xf32, #tpu.memory_space<vmem>> -> memref<1x125x64xf32, #tpu.memory_space<vmem>>
    %dma_wait3A_199 = tpu.memref_squeeze %dma_wait3A_198 : memref<1x125x64xf32, #tpu.memory_space<vmem>> -> memref<125x64xf32, #tpu.memory_space<vmem>>
    %dma_wait3A_200 = arith.constant 0 : i32
    %dma_wait3A_201 = arith.constant 0 : i32
    %dma_wait3A_202 = tpu.memref_slice %arg8[%add3A_193, %dma_wait3A_200, %dma_wait3A_201] : memref<4096x125x64xf32, #tpu.memory_space<hbm>> -> memref<1x125x64xf32, #tpu.memory_space<hbm>>
    %dma_wait3A_203 = tpu.memref_squeeze %dma_wait3A_202 : memref<1x125x64xf32, #tpu.memory_space<hbm>> -> memref<125x64xf32, #tpu.memory_space<hbm>>
    %dma_wait3A_204 = tpu.memref_slice %arg18[%dma_wait3A_195] : memref<2x!tpu.dma_semaphore, #tpu.memory_space<semaphore_mem>> -> memref<1x!tpu.dma_semaphore, #tpu.memory_space<semaphore_mem>>
    %dma_wait3A_205 = tpu.memref_squeeze %dma_wait3A_204 : memref<1x!tpu.dma_semaphore, #tpu.memory_space<semaphore_mem>> -> memref<!tpu.dma_semaphore, #tpu.memory_space<semaphore_mem>>
    %dma_wait3A_206 = arith.constant 0 : i32
    %dma_wait3A_207 = arith.constant 0 : i32
    %dma_wait3A_208 = tpu.memref_slice %arg8[%add3A_193, %dma_wait3A_206, %dma_wait3A_207] : memref<4096x125x64xf32, #tpu.memory_space<hbm>> -> memref<1x125x64xf32, #tpu.memory_space<hbm>>
    %dma_wait3A_209 = tpu.memref_squeeze %dma_wait3A_208 : memref<1x125x64xf32, #tpu.memory_space<hbm>> -> memref<125x64xf32, #tpu.memory_space<hbm>>
    %dma_wait3A_210 = arith.constant 0 : i32
    %dma_wait3A_211 = arith.constant 0 : i32
    %dma_wait3A_212 = tpu.memref_slice %arg13[%dma_wait3A_194, %dma_wait3A_210, %dma_wait3A_211] : memref<2x125x64xf32, #tpu.memory_space<vmem>> -> memref<1x125x64xf32, #tpu.memory_space<vmem>>
    %dma_wait3A_213 = tpu.memref_squeeze %dma_wait3A_212 : memref<1x125x64xf32, #tpu.memory_space<vmem>> -> memref<125x64xf32, #tpu.memory_space<vmem>>
    tpu.wait_dma2 semaphore(%dma_wait3A_205 : memref<!tpu.dma_semaphore, #tpu.memory_space<semaphore_mem>>) src(%dma_wait3A_213 : memref<125x64xf32, #tpu.memory_space<vmem>>) dst(%dma_wait3A_209 : memref<125x64xf32, #tpu.memory_space<hbm>>)
    return
  }
}

</mosaic_0001>

<sc_bundles>
// kernel: kernel.3.cloned.1.call-start
scs
__scs_entry_jumppad:
0x0: {  	(pc) =	sbr.rel $0x88, $3  }
0x1: {  	(tag) =	ssettag $0x0;
	lr =	simm.s32 $0x1  }
0x2: {  	[smem:$0x3F9B] =	sst lr;
	_ =	strace $0xD0000000  }
0x3: {  	_ = 	snop  }
0x4: {  	_ = 	snop  }
0x5: {  	_ = 	snop  }
0x6: {  	_ = 	snop  }
0x7: {  	_ = 	snop  }
__scs_overlays_trampoline_lowered:
0x8: {  	[smem:$0x3FAA] =	sst s0  }
0x9: {  	[smem:$0x3FAB] =	sst s1  }
0xa: {  	[smem:$0x3FAC] =	sst s2  }
0xb: {  	[smem:$0x3FAD] =	sst s3  }
0xc: {  	[smem:$0x3FAE] =	sst s4  }
0xd: {  	[smem:$0x3FAF] =	sst s5  }
0xe: {  	[smem:$0x3FB0] =	sst s6  }
0xf: {  	[smem:$0x3FB1] =	sst s7  }
0x10: {  	[smem:$0x3FB2] =	sst s8  }
0x11: {  	[smem:$0x3FB3] =	sst s9;
	s0 =	simm.s32 @!p0 $0x0  }
0x12: {  	s1 =	sld [smem:$0x3F99];
	s0 =	simm.s32 @p0 $0x1  }
0x13: {  	[smem:$0x3FB4] =	sst s0;
	s0 =	simm.s32 @!p1 $0x0  }
0x14: {  	s2 =	sld [smem:$0x3F98];
	s0 =	simm.s32 @p1 $0x1  }
0x15: {  	[smem:$0x3FB5] =	sst s0;
	s0 =	simm.s32 @!p2 $0x0  }
0x16: {  	s3 =	sld [smem:$0x3FDB];
	s0 =	simm.s32 @p2 $0x1  }
0x17: {  	s4 =	simm.s32 $0x1BF5;
	[smem:$0x3FB7] =	sst s0  }
0x18: {  	s0 =	sld [smem:$0x3F9A];
	_ =	swait.ge [sflag:s4], $0x0  }
0x19: {  	s7 =	sld [smem:$0x3F9B]  }
0x1a: {  	s8 =	sadd.s32 $0xFFFFE003, lr  }
0x1b: {  	s9 =	sadd.s32 $0xFFFFFEF7, lr;
	s5 =	simm.s32 $0xFFFFFFFF;
	p2 =	slt.u32 s8, $0xFFFFF086  }
0x1c: {  	p1 =	slt.u32 s9, $0xF7A;
	s5 =	simm.s32 @!p2 $0x0  }
0x1d: {  	s5 =	simm.s32 @p1 $0x1;
	p0 =	seq.s32 s7, s2  }
0x1e: {  	s7 =	smul.u32 @!p0 $0xF7A, s2;
	p2 =	seq.s32 @!p0 s5, $0x0  }
0x1f: {  	s9 =	smul.u32 $0xF7A, s1;
	s8 =	simm.s32 @!p0 $0x1BF5;
	p2 =	por !p2, p0  }
0x20: {  	[sflag:s8] =	ssyncset.s32 @!p0 $0xFFFFF086;
	s6 =	sadd.s32 @!p0 s3, s7;
	s7 =	simm.s32 @!p0 $0x108  }
0x21: {  	s3 =	sadd.s32 s3, s9;
	s6 =	sadd.s32 @!p0 $0x88, s6;
	s7 =	simm.s32 @p2 $0x1082  }
0x22: {  	[simem:s7], [sflag:s8] =	dma.local @!p0 [hbm:s6], $0xF7A  }
0x23: {  	s9 =	sor.u32 $0xD0000000, s2;
	s6 =	simm.s32 $0x108;
	_ =	swait.ge @!p0 [sflag:s8], $0x0  }
0x24: {  	s3 =	sadd.s32 $0x88, s3;
	s6 =	simm.s32 @!p1 $0x1082;
	[sflag:s4] =	ssyncset.s32 $0xFFFFF086  }
0x25: {  	[simem:s6], [sflag:s4] =	dma.local [hbm:s3], $0xF7A  }
0x26: {  	[smem:$0x3F9B] =	sst s1;
	(tag) =	ssettag s2;
	_ =	strace s9  }
0x27: {  	s1 =	sld [smem:$0x3FAB]  }
0x28: {  	s2 =	sld [smem:$0x3FAC]  }
0x29: {  	s4 =	sld [smem:$0x3FAE]  }
0x2a: {  	p0 =	seq.s32 s5, $0x0;
	s5 =	sld [smem:$0x3FAF]  }
0x2b: {  	s6 =	sld [smem:$0x3FB0]  }
0x2c: {  	s7 =	sld [smem:$0x3FB1]  }
0x2d: {  	s3 =	simm.s32 $0x108;
	s8 =	sld [smem:$0x3FB2]  }
0x2e: {  	s3 =	simm.s32 @!p0 $0x1082;
	s9 =	sld [smem:$0x3FB3]  }
0x2f: {  	lr =	sadd.s32 s0, s3;
	s0 =	sld [smem:$0x3FAA]  }
0x30: {  	s3 =	sld [smem:$0x3FAD]  }
0x31: {  	[smem:$0x3FB6] =	sst s10  }
0x32: {  	s10 =	sld [smem:$0x3FB4];
	_ =	sdelay $0x3  }
0x33: {  	p0 =	seq.s32 s10, $0x1;
	s10 =	sld [smem:$0x3FB6];
	_ =	sdelay $0x3  }
0x34: {  	[smem:$0x3FB6] =	sst s10  }
0x35: {  	s10 =	sld [smem:$0x3FB5];
	_ =	sdelay $0x3  }
0x36: {  	p1 =	seq.s32 s10, $0x1;
	s10 =	sld [smem:$0x3FB6];
	_ =	sdelay $0x3  }
0x37: {  	[smem:$0x3FB6] =	sst s10  }
0x38: {  	s10 =	sld [smem:$0x3FB7]  }
0x39: {  	_ = 	snop;
	(pc) =	sbr.ind lr, $3  }
0x3a: {  	_ = 	snop  }
0x3b: {  	_ = 	snop  }
0x3c: {  	p2 =	seq.s32 s10, $0x1;
	s10 =	sld [smem:$0x3FB6]  }
0x3d: {  	_ =	shalt  }
0x3e: {  	_ =	shalt  }
0x3f: {  	_ =	shalt  }
0x40: {  	_ =	shalt  }
0x41: {  	_ =	shalt  }
0x42: {  	_ =	shalt  }
0x43: {  	_ =	shalt  }
0x44: {  	_ =	shalt  }
0x45: {  	_ =	shalt  }
0x46: {  	_ =	shalt  }
0x47: {  	_ =	shalt  }
0x48: {  	_ =	shalt  }
0x49: {  	_ =	shalt  }
0x4a: {  	_ =	shalt  }
0x4b: {  	_ =	shalt  }
0x4c: {  	_ =	shalt  }
0x4d: {  	_ =	shalt  }
0x4e: {  	_ =	shalt  }
0x4f: {  	_ =	shalt  }
0x50: {  	_ =	shalt  }
0x51: {  	_ =	shalt  }
0x52: {  	_ =	shalt  }
0x53: {  	_ =	shalt  }
0x54: {  	_ =	shalt  }
0x55: {  	_ =	shalt  }
0x56: {  	_ =	shalt  }
0x57: {  	_ =	shalt  }
0x58: {  	_ =	shalt  }
0x59: {  	_ =	shalt  }
0x5a: {  	_ =	shalt  }
0x5b: {  	_ =	shalt  }
0x5c: {  	_ =	shalt  }
0x5d: {  	_ =	shalt  }
0x5e: {  	_ =	shalt  }
0x5f: {  	_ =	shalt  }
0x60: {  	_ =	shalt  }
0x61: {  	_ =	shalt  }
0x62: {  	_ =	shalt  }
0x63: {  	_ =	shalt  }
0x64: {  	_ =	shalt  }
0x65: {  	_ =	shalt  }
0x66: {  	_ =	shalt  }
0x67: {  	_ =	shalt  }
0x68: {  	_ =	shalt  }
0x69: {  	_ =	shalt  }
0x6a: {  	_ =	shalt  }
0x6b: {  	_ =	shalt  }
0x6c: {  	_ =	shalt  }
0x6d: {  	_ =	shalt  }
0x6e: {  	_ =	shalt  }
0x6f: {  	_ =	shalt  }
0x70: {  	_ =	shalt  }
0x71: {  	_ =	shalt  }
0x72: {  	_ =	shalt  }
0x73: {  	_ =	shalt  }
0x74: {  	_ =	shalt  }
0x75: {  	_ =	shalt  }
0x76: {  	_ =	shalt  }
0x77: {  	_ =	shalt  }
0x78: {  	_ =	shalt  }
0x79: {  	_ =	shalt  }
0x7a: {  	_ =	shalt  }
0x7b: {  	_ =	shalt  }
0x7c: {  	_ =	shalt  }
0x7d: {  	_ =	shalt  }
0x7e: {  	_ =	shalt  }
0x7f: {  	_ =	shalt  }
0x80: {  	_ =	shalt  }
0x81: {  	_ =	shalt  }
0x82: {  	_ =	shalt  }
0x83: {  	_ =	shalt  }
0x84: {  	_ =	shalt  }
0x85: {  	_ =	shalt  }
0x86: {  	_ =	shalt  }
0x87: {  	_ =	shalt  }
.Lfunc_end0:
.L_simem_size_0:
called_computation_lowered:
.L_overlay_start_0:
0x88: {  	s2 =	sld [smem:$0x3FD9]  }
0x89: {  	s3 =	sld [smem:$0x3FFE];
	_ =	sdelay $0x1  }
0x8a: {  	s1 =	srdreg.scid  }
0x8b: {  	s0 =	sand.u32 $0x1, s1  }
0x8c: {  	s14 =	sshll.u32 s0, $0xA;
	s2 =	sadd.s32 s3, s2  }
0x8d: {  	s2 =	sadd.s32 s2, s14  }
0x8e: {  	[smem:$0x3FC2] =	sst s2  }
0x8f: {  	_ = 	snop  }
0x90: {  	s2 =	sld [smem:$0x3FD0];
	_ =	sdelay $0x1  }
0x91: {  	s15 =	sld [smem:$0x3FC7]  }
0x92: {  	s5 =	simm.s32 $0xA;
	s6 =	simm.s32 $0x10;
	s4 =	sld [smem:$0x3FC5]  }
0x93: {  	[smem:s6], [sflag:s5] =	dma.local [hbm:s2], $0x1  }
0x94: {  	_ =	swait.eq [sflag:s5], $0x1  }
0x95: {  	[sflag:s5] =	ssyncset.done $0x0  }
0x96: {  	[sflag:s5] =	ssyncadd.s32 $0xFFFFFFFF  }
0x97: {  	s16 =	sld [smem:$0x12];
	(tm) =	ssettm $0x1  }
0x98: {  	s17 =	sld [smem:$0x3FFB];
	_ =	sdelay $0x3  }
0x99: {  	_ =	strace s17  }
0x9a: {  	s5 =	sld [smem:$0x3FFC];
	_ =	sdelay $0x3  }
0x9b: {  	_ =	strace s5  }
0x9c: {  	s5 =	sld [smem:$0x3FFD];
	_ =	sdelay $0x3  }
0x9d: {  	_ =	strace s5  }
0x9e: {  	_ =	strace $0x8FFFFFFF  }
0x9f: {  	s18 =	sld [smem:$0x3FDB];
	_ =	sdelay $0x1  }
0xa0: {  	s19 =	simm.s32 $_scs_section_size  }
0xa1: {  	s7 =	simm.s32 $_size__tile_overlayer_lowered;
	s8 =	simm.s32 $_tile_overlayer_lowered  }
0xa2: {  	s22 =	simm.s32 $0x1BFF;
	s21 =	sshll.u32 s8, $0x1;
	s5 =	sadd.s32 s19, s18  }
0xa3: {  	s9 =	simm.s32 $0x0;
	s20 =	sshll.u32 s7, $0x1;
	s7 =	sadd.s32 s21, s5  }
0xa4: {  	[timem:s9], [sflag:s22] =	dma.local [hbm:s7], s20  }
0xa5: {  	_ =	swait.ge [sflag:s22], s20  }
0xa6: {  	s6 =	ssub.s32 $0x0, s20;
	[sflag:s22] =	ssyncset.done $0x0  }
0xa7: {  	[sflag:s22] =	ssyncadd.s32 s6;
	_ =	sdelay $0x1  }
0xa8: {  	s23 =	simm.s32 $0x1B8B  }
0xa9: {  	_ =	swait.ge [sflag:s23], $0x1  }
0xaa: {  	[sflag:s23] =	ssyncset.done $0x0  }
0xab: {  	s25 =	simm.s32 $0x1B8E;
	s24 =	sld [smem:$0x3FFE];
	[sflag:s23] =	ssyncadd.s32 $0xFFFFFFFF  }
0xac: {  	s26 =	simm.s32 $execute0_lowered;
	[smem:$0x3FD2] =	sst s25  }
0xad: {  	s7 =	sshll.u32 s26, $0x1;
	_ =	strace $0x80000046;
	[dreg:$0x1] =	wrdreg $0xFFFFFFFF  }
0xae: {  	s28 =	simm.s32 $_size_execute0_lowered;
	s5 =	sadd.s32 s5, s7;
	[dreg:$0x0] =	wrdreg $0x0  }
0xaf: {  	s7 =	sshll.u32 s28, $0x1;
	[dreg:$0x2] =	wrdreg s5  }
0xb0: {  	[dreg:$0x3] =	wrdreg s7  }
0xb1: {  	[dreg:$0x4] =	wrdreg $0xC0  }
0xb2: {  	_ =	task [dreg:s9], $0x5FFFF  }
0xb3: {  	[dreg:$0x1] =	wrdreg $0xFFFFFFFF  }
0xb4: {  	[dreg:$0x0] =	wrdreg $0x60  }
0xb5: {  	[dreg:$0x2] =	wrdreg s15  }
0xb6: {  	[dreg:$0x3] =	wrdreg s24  }
0xb7: {  	[dreg:$0x4] =	wrdreg s16  }
0xb8: {  	[dreg:$0x5] =	wrdreg s4  }
0xb9: {  	[dreg:$0x6] =	wrdreg $0x9  }
0xba: {  	_ =	task.clear_ibuf [dreg:s9], $0x7FFFF;
	_ =	strace $0x90000046  }
0xbb: {  	s29 =	simm.s32 $0x9;
	_ =	strace $0x80000048  }
0xbc: {  	_ =	swait.ge [sflag:s29], $0x1  }
0xbd: {  	[sflag:s29] =	ssyncadd.s32 $0xFFFFFFFF  }
0xbe: {  	_ =	strace $0x90000048  }
0xbf: {  	_ =	sfence  }
0xc0: {  	s30 =	sld [smem:$0x0];
	_ =	sdelay $0x2  }
0xc1: {  	s31 =	sshll.u32 s1, $0xD;
	s1 =	sshrl.u32 s1, $0x2  }
0xc2: {  	s3 =	sand.u32 $0x4000, s31;
	s1 =	sadd.s32 s1, s30  }
0xc3: {  	s0 =	sor.u32 s3, s0;
	s1 =	sshll.u32 s1, $0x11  }
0xc4: {  	s0 =	sor.u32 s1, s0  }
0xc5: {  	s0 =	sadd.s32 $0x8F2B, s0  }
0xc6: {  	[sflag:s0] =	ssyncadd.remote.s32 $0x1  }
0xc7: {  	_ =	sfence.sel $0xFFFF  }
0xc8: {  	[dreg:$0x0] =	wrdreg $0xFFFFFFFF;
	(pc) =	sbr.abs _section_cstart, $3  }
0xc9: {  	[dreg:$0x1] =	wrdreg $0xFFFFFFFF  }
0xca: {  	_ =	task.clear_ibuf [dreg:s9], $0x2FFFF;
	_ =	strace $0x9FFFFFFF  }
0xcb: {  	(tm) =	ssettm $0x7FFFFFFF  }
tec
execute0_lowered:
.L_overlay_start_1:
0x0: {  	(tag) =	ssettag $0x1  }
0x1: {  	s0 =	rddreg [dreg:$0x0]  }
0x2: {  	s1 =	rddreg [dreg:$0x1];
	s2 =	srdreg.scid;
	s4 =	simm.s32 $0x0  }
0x3: {  	s3 =	stileid.u32;
	s16 =	simm.s32 $0x5;
	s19 =	simm.s32 $0x18200  }
0x4: {  	s20 =	simm.s32 $0x7D;
	s21 =	simm.s32 $0x4000;
	s23 =	simm.s32 $0x8000  }
0x5: {  	s24 =	simm.s32 $0x1;
	s28 =	simm.s32 $0x2;
	s29 =	simm.s32 $0x180  }
0x6: {  	s30 =	simm.s32 $0x10000;
	s31 =	simm.s32 $0x3;
	s2 =	sand.u32 $0x1, s2  }
0x7: {  	[smem:$0x7FF] =	sst s4;
	s3 =	sshll.u32 s3, $0x8;
	s6 =	sadd.s32 $0x20C00, s1  }
0x8: {  	s7 =	sadd.s32 $0x1A7600, s1;
	s5 =	sshll.u32 s2, $0x7;
	s2 =	ssub.s32 $0x2, s2  }
0x9: {  	_ =	strace $0x80000047;
	s5 =	sor.u32 s5, s3;
	s8 =	sshrl.u32 s2, $0x1  }
0xa: {  	s3 =	sshll.u32 s5, $0x4;
	s2 =	ssub.s32 s2, s8;
	s26 =	sshll.u32 s5, $0xB  }
0xb: {  	s1 =	sadd.s32 s3, s1;
	s8 =	sadd.s32 s0, s3;
	s11 =	sadd.s32 s7, s26  }
0xc: {  	s15 =	smax.u32 s2, $0x1;
	s26 =	simm.s32 $0xC000;
	s0 =	simm.s32 $0x4  }
0xd: {  	s2 =	simm.s32 $0x0;
	s9 =	sadd.s32 $0xC00, s1;
	s10 =	sadd.s32 $0x9A7600, s1  }
0xe: {  	s12 =	sadd.s32 $0x10C00, s1;
	s13 =	sadd.s32 $0x9B7600, s1;
	s14 =	sadd.s32 $0x800, s11  }
.LBB2_1:
0xf: {  	[tilespmem:s4], [sflag:$0x5] =	stream.linear.gather [hbm4b:s8+s4], $0x4000, $0x38;
	[tilespmem:$0x1C200] =	vst v63  }
0x10: {  	_ =	swait.ge [sflag:s16], $0x4000  }
0x11: {  	[sflag:s16] =	ssyncset.done $0x0  }
0x12: {  	[sflag:s16] =	ssyncadd.s32 $0xFFFFC000  }
0x13: {  	s3 =	simm.s32 $0x14000;
	s1 =	rddreg [dreg:$0x2]  }
0x14: {  	[tilespmem:s3], [sflag:$0x5] =	stream.linear.gather [hbm4b:s1+s4], $0x3E80, $0x38;
	[tilespmem:$0x1C200] =	vst v63  }
0x15: {  	_ =	swait.ge [sflag:s16], $0x3E80  }
0x16: {  	[sflag:s16] =	ssyncset.done $0x0  }
0x17: {  	[sflag:s16] =	ssyncadd.s32 $0xFFFFC180  }
0x18: {  	s25 =	simm.s32 $0x18000;
	s22 =	rddreg [dreg:$0x3]  }
0x19: {  	[tilespmem:s25], [sflag:$0x5] =	stream.linear.gather [hbm4b:s22+s4], $0x180, $0x38;
	[tilespmem:$0x1C200] =	vst v63  }
0x1a: {  	_ =	swait.ge [sflag:s16], $0x180  }
0x1b: {  	[sflag:s16] =	ssyncset.done $0x0  }
0x1c: {  	s1 =	simm.s32 $0x0;
	[sflag:s16] =	ssyncadd.s32 $0xFFFFFE80  }
0x1d: {  	s3 =	simm.s32 $0x200;
	v0 =	vld [tilespmem:s1+$0x14000]  }
.LBB2_2:
0x1e: {  	p0 =	sne.s32 s3, $0xF800;
	v1 =	vld [tilespmem:$0x18100];
	_ =	sdelay $0x4  }
0x1f: {  	v0 =	vadd.f32 v1, v0;
	_ =	sdelay $0x1  }
0x20: {  	[tilespmem:s1+$0x14000] =	vst v0;
	v0 =	vld [tilespmem:s1+$0x14010]  }
0x21: {  	v1 =	vld [tilespmem:$0x18110];
	_ =	sdelay $0x4  }
0x22: {  	v0 =	vadd.f32 v1, v0;
	_ =	sdelay $0x1  }
0x23: {  	[tilespmem:s1+$0x14010] =	vst v0;
	v0 =	vld [tilespmem:s1+$0x14020]  }
0x24: {  	v1 =	vld [tilespmem:$0x18120];
	_ =	sdelay $0x4  }
0x25: {  	v0 =	vadd.f32 v1, v0;
	_ =	sdelay $0x1  }
0x26: {  	[tilespmem:s1+$0x14020] =	vst v0;
	v0 =	vld [tilespmem:s1+$0x14030]  }
0x27: {  	v1 =	vld [tilespmem:$0x18130];
	_ =	sdelay $0x2  }
.Ltmp0:
0x28: {  	(pc) =	sbr.rel @p0 .LBB2_2-.Ltmp0, $4  }
0x29: {  	_ = 	snop  }
0x2a: {  	v1 =	vadd.f32 v1, v0  }
0x2b: {  	s17 =	sshra.s32 s3, $0x2  }
0x2c: {  	s3 =	sadd.s32 $0x200, s3;
	v0 =	vld [tilespmem:s17+$0x14000];
	[tilespmem:s1+$0x14030] =	vst v1;
	s1 =	smov.u32 s17  }
0x2d: {  	v1 =	vld [tilespmem:$0x18100];
	_ =	sdelay $0x4  }
0x2e: {  	v0 =	vadd.f32 v1, v0;
	_ =	sdelay $0x1  }
0x2f: {  	[tilespmem:s1+$0x14000] =	vst v0;
	v0 =	vld [tilespmem:s1+$0x14010]  }
0x30: {  	v1 =	vld [tilespmem:$0x18110];
	_ =	sdelay $0x4  }
0x31: {  	v0 =	vadd.f32 v1, v0;
	_ =	sdelay $0x1  }
0x32: {  	[tilespmem:s1+$0x14010] =	vst v0;
	v0 =	vld [tilespmem:s1+$0x14020]  }
0x33: {  	v1 =	vld [tilespmem:$0x18120];
	_ =	sdelay $0x4  }
0x34: {  	v0 =	vadd.f32 v1, v0;
	_ =	sdelay $0x1  }
0x35: {  	[tilespmem:s1+$0x14020] =	vst v0;
	v0 =	vld [tilespmem:s1+$0x14030]  }
0x36: {  	v1 =	vld [tilespmem:$0x18130];
	_ =	sdelay $0x4  }
0x37: {  	v0 =	vadd.f32 v1, v0;
	_ =	sdelay $0x1  }
0x38: {  	s25 =	simm.s32 $0x0;
	[tilespmem:s1+$0x14030] =	vst v0  }
0x39: {  	[tilespmem:s19], [sflag:$0x5] =	stream.linear.gather [hbm4b:s9+s25], $0x4000, $0x38;
	[tilespmem:$0x1C200] =	vst v63  }
0x3a: {  	_ =	swait.ge [sflag:s16], $0x4000  }
0x3b: {  	[sflag:s16] =	ssyncset.done $0x0  }
0x3c: {  	s1 =	simm.s32 $0x0;
	[sflag:s16] =	ssyncadd.s32 $0xFFFFC000  }
0x3d: {  	s3 =	simm.s32 $0x200;
	v0 =	vld [tilespmem:s1+$0x18200]  }
.LBB2_4:
0x3e: {  	p0 =	sne.s32 s3, $0xFE00;
	v1 =	vld [tilespmem:$0x18000];
	_ =	sdelay $0x4  }
0x3f: {  	v0 =	vadd.f32 v1, v0;
	_ =	sdelay $0x1  }
0x40: {  	[tilespmem:s1+$0x18200] =	vst v0;
	v0 =	vld [tilespmem:s1+$0x18210]  }
0x41: {  	v1 =	vld [tilespmem:$0x18010];
	_ =	sdelay $0x4  }
0x42: {  	v0 =	vadd.f32 v1, v0;
	_ =	sdelay $0x1  }
0x43: {  	[tilespmem:s1+$0x18210] =	vst v0;
	v0 =	vld [tilespmem:s1+$0x18220]  }
0x44: {  	v1 =	vld [tilespmem:$0x18020];
	_ =	sdelay $0x4  }
0x45: {  	v0 =	vadd.f32 v1, v0;
	_ =	sdelay $0x1  }
0x46: {  	[tilespmem:s1+$0x18220] =	vst v0;
	v0 =	vld [tilespmem:s1+$0x18230]  }
0x47: {  	v1 =	vld [tilespmem:$0x18030];
	_ =	sdelay $0x2  }
.Ltmp1:
0x48: {  	(pc) =	sbr.rel @p0 .LBB2_4-.Ltmp1, $4  }
0x49: {  	_ = 	snop  }
0x4a: {  	v1 =	vadd.f32 v1, v0  }
0x4b: {  	s17 =	sshra.s32 s3, $0x2  }
0x4c: {  	s3 =	sadd.s32 $0x200, s3;
	v0 =	vld [tilespmem:s17+$0x18200];
	[tilespmem:s1+$0x18230] =	vst v1;
	s1 =	smov.u32 s17  }
0x4d: {  	v1 =	vld [tilespmem:$0x18000];
	_ =	sdelay $0x4  }
0x4e: {  	v0 =	vadd.f32 v1, v0;
	_ =	sdelay $0x1  }
0x4f: {  	[tilespmem:s1+$0x18200] =	vst v0;
	v0 =	vld [tilespmem:s1+$0x18210]  }
0x50: {  	v1 =	vld [tilespmem:$0x18010];
	_ =	sdelay $0x4  }
0x51: {  	v0 =	vadd.f32 v1, v0;
	_ =	sdelay $0x1  }
0x52: {  	[tilespmem:s1+$0x18210] =	vst v0;
	v0 =	vld [tilespmem:s1+$0x18220]  }
0x53: {  	v1 =	vld [tilespmem:$0x18020];
	_ =	sdelay $0x4  }
0x54: {  	v0 =	vadd.f32 v1, v0;
	_ =	sdelay $0x1  }
0x55: {  	[tilespmem:s1+$0x18220] =	vst v0;
	v0 =	vld [tilespmem:s1+$0x18230]  }
0x56: {  	v1 =	vld [tilespmem:$0x18030];
	_ =	sdelay $0x4  }
0x57: {  	v0 =	vadd.f32 v1, v0;
	_ =	sdelay $0x1  }
0x58: {  	s25 =	simm.s32 $0x0;
	[tilespmem:s1+$0x18230] =	vst v0  }
0x59: {  	[hbm4b:s10+s25] =	stream.linear.scatter [tilespmem:s19], [sflag:$0x5], $0x4000, $0x38;
	[tilespmem:$0x1C200] =	vst v63  }
0x5a: {  	_ =	swait.ge [sflag:s16], $0x4000  }
0x5b: {  	[sflag:s16] =	ssyncset.done $0x0  }
0x5c: {  	[sflag:s16] =	ssyncadd.s32 $0xFFFFC000  }
0x5d: {  	[tilespmem:s19], [sflag:$0x5] =	stream.linear.gather [hbm4b:s12+s25], $0x4000, $0x38;
	[tilespmem:$0x1C200] =	vst v63  }
0x5e: {  	_ =	swait.ge [sflag:s16], $0x4000  }
0x5f: {  	[sflag:s16] =	ssyncset.done $0x0  }
0x60: {  	s1 =	simm.s32 $0x0;
	[sflag:s16] =	ssyncadd.s32 $0xFFFFC000  }
0x61: {  	s3 =	simm.s32 $0x200;
	v0 =	vld [tilespmem:s1+$0x18200]  }
.LBB2_6:
0x62: {  	p0 =	sne.s32 s3, $0xFE00;
	v1 =	vld [tilespmem:$0x18080];
	_ =	sdelay $0x4  }
0x63: {  	v0 =	vadd.f32 v1, v0;
	_ =	sdelay $0x1  }
0x64: {  	[tilespmem:s1+$0x18200] =	vst v0;
	v0 =	vld [tilespmem:s1+$0x18210]  }
0x65: {  	v1 =	vld [tilespmem:$0x18090];
	_ =	sdelay $0x4  }
0x66: {  	v0 =	vadd.f32 v1, v0;
	_ =	sdelay $0x1  }
0x67: {  	[tilespmem:s1+$0x18210] =	vst v0;
	v0 =	vld [tilespmem:s1+$0x18220]  }
0x68: {  	v1 =	vld [tilespmem:$0x180A0];
	_ =	sdelay $0x4  }
0x69: {  	v0 =	vadd.f32 v1, v0;
	_ =	sdelay $0x1  }
0x6a: {  	[tilespmem:s1+$0x18220] =	vst v0;
	v0 =	vld [tilespmem:s1+$0x18230]  }
0x6b: {  	v1 =	vld [tilespmem:$0x180B0];
	_ =	sdelay $0x2  }
.Ltmp2:
0x6c: {  	(pc) =	sbr.rel @p0 .LBB2_6-.Ltmp2, $4  }
0x6d: {  	_ = 	snop  }
0x6e: {  	v1 =	vadd.f32 v1, v0  }
0x6f: {  	s17 =	sshra.s32 s3, $0x2  }
0x70: {  	s3 =	sadd.s32 $0x200, s3;
	v0 =	vld [tilespmem:s17+$0x18200];
	[tilespmem:s1+$0x18230] =	vst v1;
	s1 =	smov.u32 s17  }
0x71: {  	v1 =	vld [tilespmem:$0x18080];
	_ =	sdelay $0x4  }
0x72: {  	v0 =	vadd.f32 v1, v0;
	_ =	sdelay $0x1  }
0x73: {  	[tilespmem:s1+$0x18200] =	vst v0;
	v0 =	vld [tilespmem:s1+$0x18210]  }
0x74: {  	v1 =	vld [tilespmem:$0x18090];
	_ =	sdelay $0x4  }
0x75: {  	v0 =	vadd.f32 v1, v0;
	_ =	sdelay $0x1  }
0x76: {  	[tilespmem:s1+$0x18210] =	vst v0;
	v0 =	vld [tilespmem:s1+$0x18220]  }
0x77: {  	v1 =	vld [tilespmem:$0x180A0];
	_ =	sdelay $0x4  }
0x78: {  	v0 =	vadd.f32 v1, v0;
	_ =	sdelay $0x1  }
0x79: {  	[tilespmem:s1+$0x18220] =	vst v0;
	v0 =	vld [tilespmem:s1+$0x18230]  }
0x7a: {  	v1 =	vld [tilespmem:$0x180B0];
	_ =	sdelay $0x4  }
0x7b: {  	v0 =	vadd.f32 v1, v0;
	_ =	sdelay $0x1  }
0x7c: {  	s22 =	simm.s32 $0x0;
	[tilespmem:s1+$0x18230] =	vst v0  }
0x7d: {  	[hbm4b:s13+s22] =	stream.linear.scatter [tilespmem:s19], [sflag:$0x5], $0x4000, $0x38;
	[tilespmem:$0x1C200] =	vst v63  }
0x7e: {  	_ =	swait.ge [sflag:s16], $0x4000  }
0x7f: {  	[sflag:s16] =	ssyncset.done $0x0  }
0x80: {  	[sflag:s16] =	ssyncadd.s32 $0xFFFFC000  }
0x81: {  	[tilespmem:s21], [sflag:$0x1] =	stream.indirect.gather [hbm4b:s6+s20], $0x80, s22, s20, $0xb8;
	[tilespmem:$0x1C200] =	vst v63  }
0x82: {  	s25 =	simm.s32 $0x80  }
0x83: {  	[tilespmem:s23], [sflag:$0x2] =	stream.indirect.gather [hbm4b:s6+s20], $0x80, s25, s20, $0xb8;
	[tilespmem:$0x1C200] =	vst v63  }
0x84: {  	_ =	swait.ge [sflag:s24], $0x3E80  }
0x85: {  	[sflag:s24] =	ssyncset.done $0x0  }
0x86: {  	s1 =	simm.s32 $0x0;
	[sflag:s24] =	ssyncadd.s32 $0xFFFFC180  }
0x87: {  	v2 =	vld [tilespmem:s1+$0x4030]  }
0x88: {  	v4 =	vld [tilespmem:s1+$0x14030]  }
0x89: {  	v5 =	vld [tilespmem:s1+$0x4000]  }
0x8a: {  	v6 =	vld [tilespmem:s1+$0x14000]  }
0x8b: {  	v1 =	vld [tilespmem:s1+$0x4010]  }
0x8c: {  	v3 =	vld [tilespmem:s1+$0x14010]  }
0x8d: {  	v0 =	vld [tilespmem:s1+$0x4020];
	v7 =	vadd.f32 v4, v2  }
0x8e: {  	s3 =	simm.s32 $0x80;
	v4 =	vld [tilespmem:s1+$0x14020]  }
0x8f: {  	s17 =	simm.s32 $0x400;
	v2 =	vld [tilespmem:s3+$0x4030];
	v5 =	vadd.f32 v6, v5;
	[tilespmem:s1+$0xC030] =	vst v7  }
.LBB2_8:
0x90: {  	p0 =	sne.s32 s17, $0xF800;
	v6 =	vld [tilespmem:s3+$0x14030]  }
0x91: {  	v7 =	vld [tilespmem:s3+$0x4000];
	[tilespmem:s1+$0xC000] =	vst v5;
	v3 =	vadd.f32 v3, v1  }
0x92: {  	v5 =	vld [tilespmem:s3+$0x14000]  }
.Ltmp3:
0x93: {  	v1 =	vld [tilespmem:s3+$0x4010];
	[tilespmem:s1+$0xC010] =	vst v3;
	v4 =	vadd.f32 v4, v0;
	(pc) =	sbr.rel @p0 .LBB2_8-.Ltmp3, $4  }
0x94: {  	v3 =	vld [tilespmem:s3+$0x14010]  }
0x95: {  	v0 =	vld [tilespmem:s3+$0x4020];
	v6 =	vadd.f32 v6, v2;
	[tilespmem:s1+$0xC020] =	vst v4;
	s1 =	smov.u32 s3  }
0x96: {  	s3 =	sshra.s32 s17, $0x2;
	v4 =	vld [tilespmem:s1+$0x14020]  }
0x97: {  	s17 =	sadd.s32 $0x200, s17;
	v2 =	vld [tilespmem:s3+$0x4030];
	v5 =	vadd.f32 v5, v7;
	[tilespmem:s1+$0xC030] =	vst v6  }
0x98: {  	v6 =	vld [tilespmem:s3+$0x14030]  }
0x99: {  	v7 =	vld [tilespmem:s3+$0x4000];
	[tilespmem:s1+$0xC000] =	vst v5;
	v1 =	vadd.f32 v3, v1  }
0x9a: {  	v3 =	vld [tilespmem:s3+$0x14000]  }
0x9b: {  	v5 =	vld [tilespmem:s3+$0x4010];
	[tilespmem:s1+$0xC010] =	vst v1;
	v0 =	vadd.f32 v4, v0  }
0x9c: {  	v1 =	vld [tilespmem:s3+$0x14010]  }
0x9d: {  	v4 =	vld [tilespmem:s3+$0x4020];
	[tilespmem:s1+$0xC020] =	vst v0  }
0x9e: {  	v0 =	vld [tilespmem:s3+$0x14020];
	_ =	sdelay $0x1  }
0x9f: {  	v2 =	vadd.f32 v6, v2  }
0xa0: {  	v3 =	vadd.f32 v3, v7  }
0xa1: {  	[tilespmem:s3+$0xC030] =	vst v2;
	v1 =	vadd.f32 v1, v5  }
0xa2: {  	[tilespmem:s3+$0xC000] =	vst v3;
	v0 =	vadd.f32 v0, v4  }
0xa3: {  	[tilespmem:s3+$0xC010] =	vst v1  }
0xa4: {  	s22 =	simm.s32 $0x100;
	[tilespmem:s3+$0xC020] =	vst v0  }
0xa5: {  	[tilespmem:s21], [sflag:$0x1] =	stream.indirect.gather [hbm4b:s6+s20], $0x80, s22, s20, $0xb8;
	[tilespmem:$0x1C200] =	vst v63  }
0xa6: {  	s25 =	simm.s32 $0x0  }
0xa7: {  	[hbm4b:s11+s25] =	stream.linear.scatter [tilespmem:s26], [sflag:$0x3], $0x3E80, $0x38;
	[tilespmem:$0x1C200] =	vst v63  }
0xa8: {  	_ =	swait.ge [sflag:s28], $0x3E80  }
0xa9: {  	[sflag:s28] =	ssyncset.done $0x0  }
0xaa: {  	s1 =	simm.s32 $0x0;
	[sflag:s28] =	ssyncadd.s32 $0xFFFFC180  }
0xab: {  	v2 =	vld [tilespmem:s1+$0x8030]  }
0xac: {  	v4 =	vld [tilespmem:s1+$0x14030]  }
0xad: {  	v5 =	vld [tilespmem:s1+$0x8000]  }
0xae: {  	v6 =	vld [tilespmem:s1+$0x14000]  }
0xaf: {  	v1 =	vld [tilespmem:s1+$0x8010]  }
0xb0: {  	v3 =	vld [tilespmem:s1+$0x14010]  }
0xb1: {  	v0 =	vld [tilespmem:s1+$0x8020];
	v7 =	vadd.f32 v4, v2  }
0xb2: {  	s3 =	simm.s32 $0x80;
	v4 =	vld [tilespmem:s1+$0x14020]  }
0xb3: {  	s17 =	simm.s32 $0x400;
	v2 =	vld [tilespmem:s3+$0x8030];
	v5 =	vadd.f32 v6, v5;
	[tilespmem:s1+$0x10030] =	vst v7  }
.LBB2_10:
0xb4: {  	p0 =	sne.s32 s17, $0xF800;
	v6 =	vld [tilespmem:s3+$0x14030]  }
0xb5: {  	v7 =	vld [tilespmem:s3+$0x8000];
	[tilespmem:s1+$0x10000] =	vst v5;
	v3 =	vadd.f32 v3, v1  }
0xb6: {  	v5 =	vld [tilespmem:s3+$0x14000]  }
.Ltmp4:
0xb7: {  	v1 =	vld [tilespmem:s3+$0x8010];
	[tilespmem:s1+$0x10010] =	vst v3;
	v4 =	vadd.f32 v4, v0;
	(pc) =	sbr.rel @p0 .LBB2_10-.Ltmp4, $4  }
0xb8: {  	v3 =	vld [tilespmem:s3+$0x14010]  }
0xb9: {  	v0 =	vld [tilespmem:s3+$0x8020];
	v6 =	vadd.f32 v6, v2;
	[tilespmem:s1+$0x10020] =	vst v4;
	s1 =	smov.u32 s3  }
0xba: {  	s3 =	sshra.s32 s17, $0x2;
	v4 =	vld [tilespmem:s1+$0x14020]  }
0xbb: {  	s17 =	sadd.s32 $0x200, s17;
	v2 =	vld [tilespmem:s3+$0x8030];
	v5 =	vadd.f32 v5, v7;
	[tilespmem:s1+$0x10030] =	vst v6  }
0xbc: {  	v6 =	vld [tilespmem:s3+$0x14030]  }
0xbd: {  	v7 =	vld [tilespmem:s3+$0x8000];
	[tilespmem:s1+$0x10000] =	vst v5;
	v1 =	vadd.f32 v3, v1  }
0xbe: {  	v62 =	vld [tilespmem:s3+$0x14000]  }
0xbf: {  	v5 =	vld [tilespmem:s3+$0x8010];
	[tilespmem:s1+$0x10010] =	vst v1;
	v0 =	vadd.f32 v4, v0  }
0xc0: {  	v1 =	vld [tilespmem:s3+$0x14010]  }
0xc1: {  	v63 =	vld [tilespmem:s3+$0x8020];
	[tilespmem:s1+$0x10020] =	vst v0  }
0xc2: {  	v0 =	vld [tilespmem:s3+$0x14020];
	_ =	sdelay $0x1  }
0xc3: {  	v2 =	vadd.f32 v6, v2  }
0xc4: {  	v3 =	vadd.f32 v62, v7  }
0xc5: {  	[tilespmem:s3+$0x10030] =	vst v2;
	v1 =	vadd.f32 v1, v5  }
0xc6: {  	[tilespmem:s3+$0x10000] =	vst v3;
	v0 =	vadd.f32 v0, v63  }
0xc7: {  	[tilespmem:s3+$0x10010] =	vst v1  }
0xc8: {  	[tilespmem:s3+$0x10020] =	vst v0  }
0xc9: {  	[tilespmem:s23], [sflag:$0x2] =	stream.indirect.gather [hbm4b:s6+s20], $0x80, s29, s20, $0xb8;
	[tilespmem:$0x1C200] =	vst v63  }
0xca: {  	s1 =	simm.s32 $0x1  }
0xcb: {  	[hbm4b:s14+s4] =	stream.linear.scatter [tilespmem:s30], [sflag:$0x4], $0x3E80, $0x38;
	[tilespmem:$0x1C200] =	vst v63  }
.LBB2_12:
0xcc: {  	_ =	swait.ge [sflag:s31], $0x3E80  }
0xcd: {  	[sflag:s31] =	ssyncset.done $0x0  }
0xce: {  	[sflag:s31] =	ssyncadd.s32 $0xFFFFC180  }
0xcf: {  	_ =	swait.ge [sflag:s24], $0x3E80  }
0xd0: {  	[sflag:s24] =	ssyncset.done $0x0  }
0xd1: {  	s3 =	simm.s32 $0x0;
	[sflag:s24] =	ssyncadd.s32 $0xFFFFC180  }
0xd2: {  	v2 =	vld [tilespmem:s3+$0x4030]  }
0xd3: {  	v4 =	vld [tilespmem:s3+$0x14030]  }
0xd4: {  	v5 =	vld [tilespmem:s3+$0x4000]  }
0xd5: {  	v6 =	vld [tilespmem:s3+$0x14000]  }
0xd6: {  	v1 =	vld [tilespmem:s3+$0x4010]  }
0xd7: {  	v3 =	vld [tilespmem:s3+$0x14010]  }
0xd8: {  	v0 =	vld [tilespmem:s3+$0x4020];
	v7 =	vadd.f32 v4, v2  }
0xd9: {  	s18 =	simm.s32 $0x80;
	v4 =	vld [tilespmem:s3+$0x14020]  }
0xda: {  	s17 =	simm.s32 $0x400;
	v2 =	vld [tilespmem:s18+$0x4030];
	v5 =	vadd.f32 v6, v5;
	[tilespmem:s3+$0xC030] =	vst v7  }
.LBB2_13:
0xdb: {  	p0 =	sne.s32 s17, $0xF800;
	v6 =	vld [tilespmem:s18+$0x14030]  }
0xdc: {  	v7 =	vld [tilespmem:s18+$0x4000];
	[tilespmem:s3+$0xC000] =	vst v5;
	v3 =	vadd.f32 v3, v1  }
0xdd: {  	v5 =	vld [tilespmem:s18+$0x14000]  }
.Ltmp5:
0xde: {  	v1 =	vld [tilespmem:s18+$0x4010];
	[tilespmem:s3+$0xC010] =	vst v3;
	v4 =	vadd.f32 v4, v0;
	(pc) =	sbr.rel @p0 .LBB2_13-.Ltmp5, $4  }
0xdf: {  	v3 =	vld [tilespmem:s18+$0x14010]  }
0xe0: {  	v0 =	vld [tilespmem:s18+$0x4020];
	v6 =	vadd.f32 v6, v2;
	[tilespmem:s3+$0xC020] =	vst v4;
	s3 =	smov.u32 s18  }
0xe1: {  	s18 =	sshra.s32 s17, $0x2;
	v4 =	vld [tilespmem:s3+$0x14020]  }
0xe2: {  	s17 =	sadd.s32 $0x200, s17;
	v2 =	vld [tilespmem:s18+$0x4030];
	v5 =	vadd.f32 v5, v7;
	[tilespmem:s3+$0xC030] =	vst v6  }
0xe3: {  	v6 =	vld [tilespmem:s18+$0x14030]  }
0xe4: {  	v7 =	vld [tilespmem:s18+$0x4000];
	[tilespmem:s3+$0xC000] =	vst v5;
	v1 =	vadd.f32 v3, v1  }
0xe5: {  	v3 =	vld [tilespmem:s18+$0x14000]  }
0xe6: {  	v5 =	vld [tilespmem:s18+$0x4010];
	[tilespmem:s3+$0xC010] =	vst v1;
	v0 =	vadd.f32 v4, v0  }
0xe7: {  	v1 =	vld [tilespmem:s18+$0x14010]  }
0xe8: {  	v4 =	vld [tilespmem:s18+$0x4020];
	[tilespmem:s3+$0xC020] =	vst v0  }
0xe9: {  	v0 =	vld [tilespmem:s18+$0x14020];
	_ =	sdelay $0x1  }
0xea: {  	v2 =	vadd.f32 v6, v2  }
0xeb: {  	v3 =	vadd.f32 v3, v7  }
0xec: {  	p0 =	seq.s32 s1, $0x3F;
	[tilespmem:s18+$0xC030] =	vst v2;
	v1 =	vadd.f32 v1, v5  }
0xed: {  	s3 =	sshll.u32 @!p0 s1, $0x8;
	[tilespmem:s18+$0xC000] =	vst v3;
	v0 =	vadd.f32 v0, v4  }
0xee: {  	s17 =	sshll.u32 s1, $0x1;
	s3 =	sand.u32 @!p0 $0x3FFFFF00, s3;
	[tilespmem:s18+$0xC010] =	vst v1  }
0xef: {  	s22 =	simm.s32 @!p0 $0x7D;
	s25 =	simm.s32 @!p0 $0x4000;
	[tilespmem:s18+$0xC020] =	vst v0;
	s18 =	sadd.s32 @!p0 $0x100, s3  }
0xf0: {  	[tilespmem:s25], [sflag:$0x1] =	stream.indirect.gather @!p0 [hbm4b:s6+s22], $0x80, s18, s22, $0xb8;
	[tilespmem:$0x1C200] =	vst v63  }
0xf1: {  	s22 =	sadd.s32 s5, s17  }
0xf2: {  	s18 =	sshll.u32 s22, $0xB  }
0xf3: {  	s25 =	simm.s32 $0x0;
	s18 =	sadd.s32 s7, s18  }
0xf4: {  	[hbm4b:s18+s25] =	stream.linear.scatter [tilespmem:s26], [sflag:$0x3], $0x3E80, $0x38;
	[tilespmem:$0x1C200] =	vst v63  }
0xf5: {  	_ =	swait.ge [sflag:s0], $0x3E80  }
0xf6: {  	[sflag:s0] =	ssyncset.done $0x0  }
0xf7: {  	[sflag:s0] =	ssyncadd.s32 $0xFFFFC180  }
0xf8: {  	_ =	swait.ge [sflag:s28], $0x3E80  }
0xf9: {  	[sflag:s28] =	ssyncset.done $0x0  }
0xfa: {  	s18 =	simm.s32 $0x0;
	[sflag:s28] =	ssyncadd.s32 $0xFFFFC180  }
0xfb: {  	v2 =	vld [tilespmem:s18+$0x8030]  }
0xfc: {  	v4 =	vld [tilespmem:s18+$0x14030]  }
0xfd: {  	v5 =	vld [tilespmem:s18+$0x8000]  }
0xfe: {  	v6 =	vld [tilespmem:s18+$0x14000]  }
0xff: {  	v1 =	vld [tilespmem:s18+$0x8010]  }
0x100: {  	v3 =	vld [tilespmem:s18+$0x14010]  }
0x101: {  	v0 =	vld [tilespmem:s18+$0x8020];
	v7 =	vadd.f32 v4, v2  }
0x102: {  	s22 =	simm.s32 $0x80;
	v4 =	vld [tilespmem:s18+$0x14020]  }
0x103: {  	s25 =	simm.s32 $0x400;
	v2 =	vld [tilespmem:s22+$0x8030];
	v5 =	vadd.f32 v6, v5;
	[tilespmem:s18+$0x10030] =	vst v7  }
.LBB2_15:
0x104: {  	p1 =	sne.s32 s25, $0xF800;
	v6 =	vld [tilespmem:s22+$0x14030]  }
0x105: {  	v7 =	vld [tilespmem:s22+$0x8000];
	[tilespmem:s18+$0x10000] =	vst v5;
	v3 =	vadd.f32 v3, v1  }
0x106: {  	v5 =	vld [tilespmem:s22+$0x14000]  }
.Ltmp6:
0x107: {  	v1 =	vld [tilespmem:s22+$0x8010];
	[tilespmem:s18+$0x10010] =	vst v3;
	v4 =	vadd.f32 v4, v0;
	(pc) =	sbr.rel @p1 .LBB2_15-.Ltmp6, $4  }
0x108: {  	v3 =	vld [tilespmem:s22+$0x14010]  }
0x109: {  	v0 =	vld [tilespmem:s22+$0x8020];
	v6 =	vadd.f32 v6, v2;
	[tilespmem:s18+$0x10020] =	vst v4;
	s18 =	smov.u32 s22  }
0x10a: {  	s22 =	sshra.s32 s25, $0x2;
	v4 =	vld [tilespmem:s18+$0x14020]  }
0x10b: {  	s25 =	sadd.s32 $0x200, s25;
	v2 =	vld [tilespmem:s22+$0x8030];
	v5 =	vadd.f32 v5, v7;
	[tilespmem:s18+$0x10030] =	vst v6  }
0x10c: {  	v6 =	vld [tilespmem:s22+$0x14030]  }
0x10d: {  	v7 =	vld [tilespmem:s22+$0x8000];
	[tilespmem:s18+$0x10000] =	vst v5;
	v1 =	vadd.f32 v3, v1  }
0x10e: {  	v62 =	vld [tilespmem:s22+$0x14000]  }
0x10f: {  	v5 =	vld [tilespmem:s22+$0x8010];
	[tilespmem:s18+$0x10010] =	vst v1;
	v0 =	vadd.f32 v4, v0  }
0x110: {  	v1 =	vld [tilespmem:s22+$0x14010]  }
0x111: {  	v63 =	vld [tilespmem:s22+$0x8020];
	[tilespmem:s18+$0x10020] =	vst v0  }
0x112: {  	v0 =	vld [tilespmem:s22+$0x14020];
	_ =	sdelay $0x1  }
0x113: {  	v2 =	vadd.f32 v6, v2  }
0x114: {  	v3 =	vadd.f32 v62, v7  }
0x115: {  	[tilespmem:s22+$0x10030] =	vst v2;
	v1 =	vadd.f32 v1, v5  }
0x116: {  	[tilespmem:s22+$0x10000] =	vst v3;
	v0 =	vadd.f32 v0, v63  }
0x117: {  	s3 =	sadd.s32 @!p0 $0x180, s3;
	[tilespmem:s22+$0x10010] =	vst v1  }
0x118: {  	s1 =	sadd.s32 $0x1, s1;
	s18 =	simm.s32 @!p0 $0x7D;
	[tilespmem:s22+$0x10020] =	vst v0;
	s22 =	simm.s32 @!p0 $0x8000  }
0x119: {  	[tilespmem:s22], [sflag:$0x2] =	stream.indirect.gather @!p0 [hbm4b:s6+s18], $0x80, s3, s18, $0xb8;
	[tilespmem:$0x1C200] =	vst v63  }
0x11a: {  	p0 =	sne.s32 s1, $0x40  }
.Ltmp7:
0x11b: {  	s17 =	sor.u32 $0x1, s17;
	(pc) =	sbr.rel @p0 .LBB2_12-.Ltmp7, $4  }
0x11c: {  	s25 =	sadd.s32 s5, s17  }
0x11d: {  	s3 =	sshll.u32 s25, $0xB  }
0x11e: {  	s3 =	sadd.s32 s7, s3  }
0x11f: {  	[hbm4b:s3+s4] =	stream.linear.scatter [tilespmem:s30], [sflag:$0x4], $0x3E80, $0x38;
	[tilespmem:$0x1C200] =	vst v63  }
0x120: {  	s2 =	sadd.s32 $0x1, s2  }
0x121: {  	_ =	swait.ge [sflag:s31], $0x3E80;
	p0 =	sne.s32 s2, s15  }
.Ltmp8:
0x122: {  	[sflag:s31] =	ssyncset.done $0x0;
	(pc) =	sbr.rel @p0 .LBB2_1-.Ltmp8, $4  }
0x123: {  	[sflag:s31] =	ssyncadd.s32 $0xFFFFC180  }
0x124: {  	_ =	swait.ge [sflag:s0], $0x3E80  }
0x125: {  	[sflag:s0] =	ssyncset.done $0x0  }
0x126: {  	[sflag:s0] =	ssyncadd.s32 $0xFFFFC180  }
0x127: {  	_ =	sfence.sel $0x180000  }
0x128: {  	[bflag:$0x0] =	sbarrier.arrive $0xFFFF  }
0x129: {  	_ =	strace $0x90000047  }
0x12a: {  	s0 =	stileid.u32;
	[bflag:$0x2] =	sbarrier.arrive $0xFFFF  }
0x12b: {  	p0 =	sne.s32 s0, $0x0;
	s0 =	rddreg [dreg:$0x4]  }
0x12c: {  	s0 =	sadd.s32 @!p0 $0x100000, s0  }
0x12d: {  	[sflag:s0] =	ssyncadd.tile.s32 @!p0 $0x1;
	_ =	shalt  }
.Lfunc_end2:
_tile_overlayer_lowered:
.L_overlay_start_2:
0x12e: {  	(tag) =	ssettag $0x2  }
0x12f: {  	s0 =	rddreg [dreg:$0x0];
	s2 =	stileid.u32  }
0x130: {  	s1 =	rddreg [dreg:$0x1];
	p0 =	sne.s32 s2, $0x0  }
0x131: {  	s3 =	rddreg [dreg:$0x2];
	[bflag:$0x3] =	sbarrier.arrive $0xFFFF;
	s2 =	simm.s32 @!p0 $0x1C05  }
0x132: {  	[timem:s3], [sflag:s2] =	dma.local @!p0 [hbm:s0], s1  }
0x133: {  	s0 =	simm.s32 @!p0 $0x5  }
0x134: {  	_ =	swait.ge @!p0 [sflag:s0], s1  }
0x135: {  	s1 =	ssub.s32 @!p0 $0x0, s1;
	[sflag:s0] =	ssyncset.done @!p0 $0x0  }
0x136: {  	[sflag:s0] =	ssyncadd.s32 @!p0 s1  }
0x137: {  	[bflag:$0x3] =	sbarrier.arrive $0xFFFF  }
0x138: {  	_ =	shalt  }

</sc_bundles>
